<compile_context>
chip_gen: v7x
topology: tpu7x:2x2x1
jax: 0.10.2.dev20260603
libtpu: 0.0.44.dev20260713+nightly
codegen_flags: <defaults>
</compile_context>

<pallas_src>
import functools

import jax
import jax.numpy as jnp
from jax import lax
from jax.experimental import pallas as pl
from jax.experimental.pallas import tpu as pltpu
from jax.experimental.pallas import tpu_sc as plsc

N = 10000
NPAD = 10240
M = 320000
D_IN = 128
D_OUT = 129
DP = 144
NC = 2
NS = 16
NW = NC * NS
EDGES_PER_TILE = M // NW
CHUNK = 40
N_CHUNKS = EDGES_PER_TILE // CHUNK
NBUF = 5
N_GROUPS = N_CHUNKS // NBUF
ROWS_PER_TILE = NPAD // NS
ZBLK = 128

_MESH = plsc.VectorSubcoreMesh(core_axis_name="c", subcore_axis_name="s")


@functools.partial(
    pl.kernel,
    out_type=(jax.ShapeDtypeStruct((NPAD, DP), jnp.float32),
              jax.ShapeDtypeStruct((NPAD, DP), jnp.float32)),
    mesh=_MESH,
    scratch_types=[
        pltpu.VMEM((NBUF, CHUNK), jnp.int32),
        pltpu.VMEM((NBUF, CHUNK), jnp.int32),
        pltpu.VMEM((NBUF, CHUNK, DP), jnp.float32),
        pltpu.VMEM_SHARED((NPAD, DP), jnp.float32),
        pltpu.SemaphoreType.DMA((NBUF,)),
        pltpu.SemaphoreType.DMA((NBUF,)),
        pltpu.SemaphoreType.DMA((NBUF,)),
    ],
    compiler_params=pltpu.CompilerParams(use_tc_tiling_on_sc=False),
)
def _sc_gather_scatter_add(node_hbm, src_hbm, dst_hbm, zeros_hbm,
                           out0_hbm, out1_hbm,
                           src_v, dst_v, rows_v, acc, sem_i, sem_g, sem_a):
    c = lax.axis_index("c")
    s = lax.axis_index("s")
    wid = s * NC + c
    row0 = pl.multiple_of(s * ROWS_PER_TILE, ZBLK)

    @pl.when(c == 0)
    def _():
        pltpu.sync_copy(node_hbm.at[pl.ds(row0, ROWS_PER_TILE)],
                        acc.at[pl.ds(row0, ROWS_PER_TILE)])

    @pl.when(c != 0)
    def _():
        for j in range(ROWS_PER_TILE // ZBLK):
            pltpu.sync_copy(zeros_hbm, acc.at[pl.ds(row0 + j * ZBLK, ZBLK)])

    plsc.subcore_barrier()

    e0 = wid * EDGES_PER_TILE

    def _idx_copies(chunk, b):
        base = e0 + chunk * CHUNK
        return (
            pltpu.make_async_copy(src_hbm.at[pl.ds(base, CHUNK)],
                                  src_v.at[b], sem_i.at[b]),
            pltpu.make_async_copy(dst_hbm.at[pl.ds(base, CHUNK)],
                                  dst_v.at[b], sem_i.at[b]),
        )

    for b in range(NBUF):
        for d in _idx_copies(b, b):
            d.start()

    def group(g, carry):
        gathers = []
        for b in range(NBUF):
            for d in _idx_copies(g * NBUF + b, b):
                d.wait()
            d = pltpu.make_async_copy(node_hbm.at[src_v.at[b]],
                                      rows_v.at[b], sem_g.at[b])
            d.start()
            gathers.append(d)
        scatters = []
        for b in range(NBUF):
            gathers[b].wait()
            d = pltpu.async_copy(rows_v.at[b], acc.at[dst_v.at[b]],
                                 sem_a.at[b], add=True)
            scatters.append(d)
        for b in range(NBUF):
            scatters[b].wait()

            @pl.when(g < N_GROUPS - 1)
            def _():
                for d in _idx_copies((g + 1) * NBUF + b, b):
                    d.start()

        return carry

    lax.fori_loop(0, N_GROUPS, group, 0)

    plsc.subcore_barrier()

    @pl.when(c == 0)
    def _():
        pltpu.sync_copy(acc.at[pl.ds(row0, ROWS_PER_TILE)],
                        out0_hbm.at[pl.ds(row0, ROWS_PER_TILE)])

    @pl.when(c != 0)
    def _():
        pltpu.sync_copy(acc.at[pl.ds(row0, ROWS_PER_TILE)],
                        out1_hbm.at[pl.ds(row0, ROWS_PER_TILE)])


def _combine_body(a_ref, b_ref, o_ref):
    o_ref[...] = (a_ref[...] + b_ref[...])[:, :D_OUT]


_combine = pl.pallas_call(
    _combine_body,
    grid=(5,),
    in_specs=[
        pl.BlockSpec((N // 5, DP), lambda i: (i, 0)),
        pl.BlockSpec((N // 5, DP), lambda i: (i, 0)),
    ],
    out_specs=pl.BlockSpec((N // 5, D_OUT), lambda i: (i, 0)),
    out_shape=jax.ShapeDtypeStruct((N, D_OUT), jnp.float32),
)


def kernel(node, edge_index, eps_k):
    del eps_k
    rkey = jax.random.fold_in(jax.random.key(0), 42)
    rand = jax.random.uniform(
        rkey, (N, 1), minval=0.0, maxval=100.0, dtype=jnp.float32) / 100.0
    node_pad = jnp.zeros((NPAD, DP), jnp.float32)
    node_pad = node_pad.at[:N, :D_IN].set(node)
    node_pad = node_pad.at[:N, D_IN:D_OUT].set(rand)
    dst = edge_index[0]
    src = edge_index[1]
    zeros_blk = jnp.zeros((ZBLK, DP), jnp.float32)
    p0, p1 = _sc_gather_scatter_add(node_pad, src, dst, zeros_blk)
    return _combine(p0, p1)

# --- scband reference (transcript-rebuilt; emitter-appended) ---
"""Pipeline reference for scband-r-gin-27882927686091 (READ-ONLY COPY).

The authoritative reference and input builder live on the scoring server;
editing this copy changes nothing except your own understanding.
"""

import jax, jax.numpy as jnp
import numpy as np

N_NODES = 10000
N_EDGES = 320000
D_FEAT = 128
RANDOM_RANGE = 100


def setup_inputs(seed: int = 0) -> dict:
    key = jax.random.key(seed)
    k1, k2 = jax.random.split(key)
    node = jax.random.normal(k1, (N_NODES, D_FEAT), dtype=jnp.float32)
    edge_index = jax.random.randint(k2, (2, N_EDGES), 0, N_NODES, dtype=jnp.int32)
    # learnable-but-frozen epsilon_k, initialized to zero (epsilon_learnable=False)
    eps_k = jnp.zeros((), dtype=jnp.float32)
    return {"node": node, "edge_index": edge_index, "eps_k": eps_k}


def reference(node, edge_index, eps_k):
    n = node.shape[0]
    # rGIN appends a random feature column drawn uniformly in [0, 1)
    # (keras.random.uniform(maxval=random_range) / random_range)
    rkey = jax.random.fold_in(jax.random.key(0), 42)
    random_values = jax.random.uniform(
        rkey, (n, 1), minval=0.0, maxval=float(RANDOM_RANGE), dtype=jnp.float32
    ) / float(RANDOM_RANGE)
    node_c = jnp.concatenate([node, random_values], axis=-1)  # ([N], F+1)
    # GatherNodesOutgoing: gather sender-node features at edge_index[1]
    ed = jnp.take(node_c, edge_index[1], axis=0)  # ([M], F+1)
    # AggregateLocalEdges(pooling_method='sum') at receiving index edge_index[0]
    nu = jax.ops.segment_sum(ed, edge_index[0], num_segments=n)  # ([N], F+1)
    # NOTE: faithful to the original source: `no` is computed but NOT used in the output
    no = (1.0 + eps_k) * node_c
    out = node_c + nu
    return out

if __name__ == "__main__":
    import jax
    _d = setup_inputs()
    print(jax.jit(kernel)(*tuple(_d.values())))

</pallas_src>

<mosaic_0001>
#map = affine_map<(d0, d1) -> (0, 0)>
#map1 = affine_map<(d0, d1) -> (0)>
module attributes {stable_mosaic.version = 14 : i64} {
  func.func @_sc_gather_scatter_add(%arg0: i32, %arg1: i32, %arg2: memref<10240x144xf32, #tpu.memory_space<hbm>>, %arg3: memref<320000xi32, #tpu.memory_space<hbm>>, %arg4: memref<320000xi32, #tpu.memory_space<hbm>>, %arg5: memref<128x144xf32, #tpu.memory_space<hbm>>, %arg6: memref<10240x144xf32, #tpu.memory_space<hbm>>, %arg7: memref<10240x144xf32, #tpu.memory_space<hbm>>, %arg8: memref<5x40xi32, #tpu.memory_space<vmem>>, %arg9: memref<5x40xi32, #tpu.memory_space<vmem>>, %arg10: memref<5x40x144xf32, #tpu.memory_space<vmem>>, %arg11: memref<10240x144xf32, #tpu.memory_space<vmem_shared>>, %arg12: memref<5x!tpu.dma_semaphore, #tpu.memory_space<semaphore_mem>>, %arg13: memref<5x!tpu.dma_semaphore, #tpu.memory_space<semaphore_mem>>, %arg14: memref<5x!tpu.dma_semaphore, #tpu.memory_space<semaphore_mem>>) attributes {dimension_semantics = [#tpu.dimension_semantics<core_parallel>, #tpu.dimension_semantics<subcore_parallel>], iteration_bounds = array<i64: 2, 16>, scalar_prefetch = 0 : i64, scratch_operands = 7 : i64, tpu.core_type = #tpu.core_type<sc_vector_subcore>, window_params = [{transform_indices = #map}, {transform_indices = #map1}, {transform_indices = #map1}, {transform_indices = #map}, {transform_indices = #map}, {transform_indices = #map}]} {
    %mul3A = arith.constant 2 : i32
    %mul3A_0 = arith.muli %arg1, %mul3A : i32
    %add3A = arith.addi %mul3A_0, %arg0 : i32
    %mul3A_1 = arith.constant 640 : i32
    %mul3A_2 = arith.muli %arg1, %mul3A_1 : i32
    %multiple_of3A = tpu.assume_multiple %mul3A_2, 128 : i32
    %eq3A = arith.constant 0 : i32
    %eq3A_3 = arith.cmpi eq, %arg0, %eq3A : i32
    %convert_element_type3A = arith.extui %eq3A_3 : i1 to i32
    %cond3A = arith.constant 0 : i32
    %cond3A_4 = arith.cmpi ne, %convert_element_type3A, %cond3A : i32
    scf.if %cond3A_4 {
      "tpu.region"() ({
        %run_scoped3A = tpu.sem_alloc : memref<!tpu.dma_semaphore, #tpu.memory_space<semaphore_mem>>
        %dma_start3A_156 = arith.constant 0 : i32
        %dma_start3A_157 = tpu.memref_slice %arg11[%multiple_of3A, %dma_start3A_156] : memref<10240x144xf32, #tpu.memory_space<vmem_shared>> -> memref<640x144xf32, #tpu.memory_space<vmem_shared>>
        %dma_start3A_158 = arith.constant 0 : i32
        %dma_start3A_159 = tpu.memref_slice %arg2[%multiple_of3A, %dma_start3A_158] : memref<10240x144xf32, #tpu.memory_space<hbm>> -> memref<640x144xf32, #tpu.memory_space<hbm>>
        tpu.enqueue_dma source(%dma_start3A_159 : memref<640x144xf32, #tpu.memory_space<hbm>>) target(%dma_start3A_157 : memref<640x144xf32, #tpu.memory_space<vmem_shared>>) target_semaphore(%run_scoped3A : memref<!tpu.dma_semaphore, #tpu.memory_space<semaphore_mem>>)
        %dma_wait3A = arith.constant 0 : i32
        %dma_wait3A_160 = tpu.memref_slice %arg11[%multiple_of3A, %dma_wait3A] : memref<10240x144xf32, #tpu.memory_space<vmem_shared>> -> memref<640x144xf32, #tpu.memory_space<vmem_shared>>
        %dma_wait3A_161 = arith.constant 0 : i32
        %dma_wait3A_162 = tpu.memref_slice %arg2[%multiple_of3A, %dma_wait3A_161] : memref<10240x144xf32, #tpu.memory_space<hbm>> -> memref<640x144xf32, #tpu.memory_space<hbm>>
        tpu.wait_dma2 semaphore(%run_scoped3A : memref<!tpu.dma_semaphore, #tpu.memory_space<semaphore_mem>>) src(%dma_wait3A_162 : memref<640x144xf32, #tpu.memory_space<hbm>>) dst(%dma_wait3A_160 : memref<640x144xf32, #tpu.memory_space<vmem_shared>>)
        tpu.yield
      }) : () -> ()
    } else {
    }
    %ne3A = arith.constant 0 : i32
    %ne3A_5 = arith.cmpi ne, %arg0, %ne3A : i32
    %convert_element_type3A_6 = arith.extui %ne3A_5 : i1 to i32
    %cond3A_7 = arith.constant 0 : i32
    %cond3A_8 = arith.cmpi ne, %convert_element_type3A_6, %cond3A_7 : i32
    scf.if %cond3A_8 {
      %add3A_156 = arith.constant 0 : i32
      %add3A_157 = arith.addi %multiple_of3A, %add3A_156 : i32
      "tpu.region"() ({
        %run_scoped3A = tpu.sem_alloc : memref<!tpu.dma_semaphore, #tpu.memory_space<semaphore_mem>>
        %dma_start3A_166 = arith.constant 0 : i32
        %dma_start3A_167 = tpu.memref_slice %arg11[%add3A_157, %dma_start3A_166] : memref<10240x144xf32, #tpu.memory_space<vmem_shared>> -> memref<128x144xf32, #tpu.memory_space<vmem_shared>>
        tpu.enqueue_dma source(%arg5 : memref<128x144xf32, #tpu.memory_space<hbm>>) target(%dma_start3A_167 : memref<128x144xf32, #tpu.memory_space<vmem_shared>>) target_semaphore(%run_scoped3A : memref<!tpu.dma_semaphore, #tpu.memory_space<semaphore_mem>>)
        %dma_wait3A = arith.constant 0 : i32
        %dma_wait3A_168 = tpu.memref_slice %arg11[%add3A_157, %dma_wait3A] : memref<10240x144xf32, #tpu.memory_space<vmem_shared>> -> memref<128x144xf32, #tpu.memory_space<vmem_shared>>
        tpu.wait_dma2 semaphore(%run_scoped3A : memref<!tpu.dma_semaphore, #tpu.memory_space<semaphore_mem>>) src(%arg5 : memref<128x144xf32, #tpu.memory_space<hbm>>) dst(%dma_wait3A_168 : memref<128x144xf32, #tpu.memory_space<vmem_shared>>)
        tpu.yield
      }) : () -> ()
      %add3A_158 = arith.constant 128 : i32
      %add3A_159 = arith.addi %multiple_of3A, %add3A_158 : i32
      "tpu.region"() ({
        %run_scoped3A = tpu.sem_alloc : memref<!tpu.dma_semaphore, #tpu.memory_space<semaphore_mem>>
        %dma_start3A_166 = arith.constant 0 : i32
        %dma_start3A_167 = tpu.memref_slice %arg11[%add3A_159, %dma_start3A_166] : memref<10240x144xf32, #tpu.memory_space<vmem_shared>> -> memref<128x144xf32, #tpu.memory_space<vmem_shared>>
        tpu.enqueue_dma source(%arg5 : memref<128x144xf32, #tpu.memory_space<hbm>>) target(%dma_start3A_167 : memref<128x144xf32, #tpu.memory_space<vmem_shared>>) target_semaphore(%run_scoped3A : memref<!tpu.dma_semaphore, #tpu.memory_space<semaphore_mem>>)
        %dma_wait3A = arith.constant 0 : i32
        %dma_wait3A_168 = tpu.memref_slice %arg11[%add3A_159, %dma_wait3A] : memref<10240x144xf32, #tpu.memory_space<vmem_shared>> -> memref<128x144xf32, #tpu.memory_space<vmem_shared>>
        tpu.wait_dma2 semaphore(%run_scoped3A : memref<!tpu.dma_semaphore, #tpu.memory_space<semaphore_mem>>) src(%arg5 : memref<128x144xf32, #tpu.memory_space<hbm>>) dst(%dma_wait3A_168 : memref<128x144xf32, #tpu.memory_space<vmem_shared>>)
        tpu.yield
      }) : () -> ()
      %add3A_160 = arith.constant 256 : i32
      %add3A_161 = arith.addi %multiple_of3A, %add3A_160 : i32
      "tpu.region"() ({
        %run_scoped3A = tpu.sem_alloc : memref<!tpu.dma_semaphore, #tpu.memory_space<semaphore_mem>>
        %dma_start3A_166 = arith.constant 0 : i32
        %dma_start3A_167 = tpu.memref_slice %arg11[%add3A_161, %dma_start3A_166] : memref<10240x144xf32, #tpu.memory_space<vmem_shared>> -> memref<128x144xf32, #tpu.memory_space<vmem_shared>>
        tpu.enqueue_dma source(%arg5 : memref<128x144xf32, #tpu.memory_space<hbm>>) target(%dma_start3A_167 : memref<128x144xf32, #tpu.memory_space<vmem_shared>>) target_semaphore(%run_scoped3A : memref<!tpu.dma_semaphore, #tpu.memory_space<semaphore_mem>>)
        %dma_wait3A = arith.constant 0 : i32
        %dma_wait3A_168 = tpu.memref_slice %arg11[%add3A_161, %dma_wait3A] : memref<10240x144xf32, #tpu.memory_space<vmem_shared>> -> memref<128x144xf32, #tpu.memory_space<vmem_shared>>
        tpu.wait_dma2 semaphore(%run_scoped3A : memref<!tpu.dma_semaphore, #tpu.memory_space<semaphore_mem>>) src(%arg5 : memref<128x144xf32, #tpu.memory_space<hbm>>) dst(%dma_wait3A_168 : memref<128x144xf32, #tpu.memory_space<vmem_shared>>)
        tpu.yield
      }) : () -> ()
      %add3A_162 = arith.constant 384 : i32
      %add3A_163 = arith.addi %multiple_of3A, %add3A_162 : i32
      "tpu.region"() ({
        %run_scoped3A = tpu.sem_alloc : memref<!tpu.dma_semaphore, #tpu.memory_space<semaphore_mem>>
        %dma_start3A_166 = arith.constant 0 : i32
        %dma_start3A_167 = tpu.memref_slice %arg11[%add3A_163, %dma_start3A_166] : memref<10240x144xf32, #tpu.memory_space<vmem_shared>> -> memref<128x144xf32, #tpu.memory_space<vmem_shared>>
        tpu.enqueue_dma source(%arg5 : memref<128x144xf32, #tpu.memory_space<hbm>>) target(%dma_start3A_167 : memref<128x144xf32, #tpu.memory_space<vmem_shared>>) target_semaphore(%run_scoped3A : memref<!tpu.dma_semaphore, #tpu.memory_space<semaphore_mem>>)
        %dma_wait3A = arith.constant 0 : i32
        %dma_wait3A_168 = tpu.memref_slice %arg11[%add3A_163, %dma_wait3A] : memref<10240x144xf32, #tpu.memory_space<vmem_shared>> -> memref<128x144xf32, #tpu.memory_space<vmem_shared>>
        tpu.wait_dma2 semaphore(%run_scoped3A : memref<!tpu.dma_semaphore, #tpu.memory_space<semaphore_mem>>) src(%arg5 : memref<128x144xf32, #tpu.memory_space<hbm>>) dst(%dma_wait3A_168 : memref<128x144xf32, #tpu.memory_space<vmem_shared>>)
        tpu.yield
      }) : () -> ()
      %add3A_164 = arith.constant 512 : i32
      %add3A_165 = arith.addi %multiple_of3A, %add3A_164 : i32
      "tpu.region"() ({
        %run_scoped3A = tpu.sem_alloc : memref<!tpu.dma_semaphore, #tpu.memory_space<semaphore_mem>>
        %dma_start3A_166 = arith.constant 0 : i32
        %dma_start3A_167 = tpu.memref_slice %arg11[%add3A_165, %dma_start3A_166] : memref<10240x144xf32, #tpu.memory_space<vmem_shared>> -> memref<128x144xf32, #tpu.memory_space<vmem_shared>>
        tpu.enqueue_dma source(%arg5 : memref<128x144xf32, #tpu.memory_space<hbm>>) target(%dma_start3A_167 : memref<128x144xf32, #tpu.memory_space<vmem_shared>>) target_semaphore(%run_scoped3A : memref<!tpu.dma_semaphore, #tpu.memory_space<semaphore_mem>>)
        %dma_wait3A = arith.constant 0 : i32
        %dma_wait3A_168 = tpu.memref_slice %arg11[%add3A_165, %dma_wait3A] : memref<10240x144xf32, #tpu.memory_space<vmem_shared>> -> memref<128x144xf32, #tpu.memory_space<vmem_shared>>
        tpu.wait_dma2 semaphore(%run_scoped3A : memref<!tpu.dma_semaphore, #tpu.memory_space<semaphore_mem>>) src(%arg5 : memref<128x144xf32, #tpu.memory_space<hbm>>) dst(%dma_wait3A_168 : memref<128x144xf32, #tpu.memory_space<vmem_shared>>)
        tpu.yield
      }) : () -> ()
    } else {
    }
    %barrier3A = arith.constant 0 : index
    tpu.barrier barrier_id(%barrier3A)
    %mul3A_9 = arith.constant 10000 : i32
    %mul3A_10 = arith.muli %add3A, %mul3A_9 : i32
    %add3A_11 = arith.constant 0 : i32
    %add3A_12 = arith.addi %mul3A_10, %add3A_11 : i32
    %dma_start3A = arith.constant 0 : i32
    %dma_start3A_13 = arith.constant 0 : i32
    %dma_start3A_14 = arith.constant 0 : i32
    %dma_start3A_15 = tpu.memref_slice %arg8[%dma_start3A, %dma_start3A_14] : memref<5x40xi32, #tpu.memory_space<vmem>> -> memref<1x40xi32, #tpu.memory_space<vmem>>
    %dma_start3A_16 = tpu.memref_squeeze %dma_start3A_15 : memref<1x40xi32, #tpu.memory_space<vmem>> -> memref<40xi32, #tpu.memory_space<vmem>>
    %dma_start3A_17 = tpu.memref_slice %arg3[%add3A_12] : memref<320000xi32, #tpu.memory_space<hbm>> -> memref<40xi32, #tpu.memory_space<hbm>>
    %dma_start3A_18 = tpu.memref_slice %arg12[%dma_start3A_13] : memref<5x!tpu.dma_semaphore, #tpu.memory_space<semaphore_mem>> -> memref<1x!tpu.dma_semaphore, #tpu.memory_space<semaphore_mem>>
    %dma_start3A_19 = tpu.memref_squeeze %dma_start3A_18 : memref<1x!tpu.dma_semaphore, #tpu.memory_space<semaphore_mem>> -> memref<!tpu.dma_semaphore, #tpu.memory_space<semaphore_mem>>
    %dma_start3A_20 = arith.constant 0 : i32
    %dma_start3A_21 = tpu.memref_slice %arg8[%dma_start3A, %dma_start3A_20] : memref<5x40xi32, #tpu.memory_space<vmem>> -> memref<1x40xi32, #tpu.memory_space<vmem>>
    %dma_start3A_22 = tpu.memref_squeeze %dma_start3A_21 : memref<1x40xi32, #tpu.memory_space<vmem>> -> memref<40xi32, #tpu.memory_space<vmem>>
    %dma_start3A_23 = tpu.memref_slice %arg3[%add3A_12] : memref<320000xi32, #tpu.memory_space<hbm>> -> memref<40xi32, #tpu.memory_space<hbm>>
    tpu.enqueue_dma source(%dma_start3A_23 : memref<40xi32, #tpu.memory_space<hbm>>) target(%dma_start3A_22 : memref<40xi32, #tpu.memory_space<vmem>>) target_semaphore(%dma_start3A_19 : memref<!tpu.dma_semaphore, #tpu.memory_space<semaphore_mem>>)
    %dma_start3A_24 = arith.constant 0 : i32
    %dma_start3A_25 = arith.constant 0 : i32
    %dma_start3A_26 = arith.constant 0 : i32
    %dma_start3A_27 = tpu.memref_slice %arg9[%dma_start3A_24, %dma_start3A_26] : memref<5x40xi32, #tpu.memory_space<vmem>> -> memref<1x40xi32, #tpu.memory_space<vmem>>
    %dma_start3A_28 = tpu.memref_squeeze %dma_start3A_27 : memref<1x40xi32, #tpu.memory_space<vmem>> -> memref<40xi32, #tpu.memory_space<vmem>>
    %dma_start3A_29 = tpu.memref_slice %arg4[%add3A_12] : memref<320000xi32, #tpu.memory_space<hbm>> -> memref<40xi32, #tpu.memory_space<hbm>>
    %dma_start3A_30 = tpu.memref_slice %arg12[%dma_start3A_25] : memref<5x!tpu.dma_semaphore, #tpu.memory_space<semaphore_mem>> -> memref<1x!tpu.dma_semaphore, #tpu.memory_space<semaphore_mem>>
    %dma_start3A_31 = tpu.memref_squeeze %dma_start3A_30 : memref<1x!tpu.dma_semaphore, #tpu.memory_space<semaphore_mem>> -> memref<!tpu.dma_semaphore, #tpu.memory_space<semaphore_mem>>
    %dma_start3A_32 = arith.constant 0 : i32
    %dma_start3A_33 = tpu.memref_slice %arg9[%dma_start3A_24, %dma_start3A_32] : memref<5x40xi32, #tpu.memory_space<vmem>> -> memref<1x40xi32, #tpu.memory_space<vmem>>
    %dma_start3A_34 = tpu.memref_squeeze %dma_start3A_33 : memref<1x40xi32, #tpu.memory_space<vmem>> -> memref<40xi32, #tpu.memory_space<vmem>>
    %dma_start3A_35 = tpu.memref_slice %arg4[%add3A_12] : memref<320000xi32, #tpu.memory_space<hbm>> -> memref<40xi32, #tpu.memory_space<hbm>>
    tpu.enqueue_dma source(%dma_start3A_35 : memref<40xi32, #tpu.memory_space<hbm>>) target(%dma_start3A_34 : memref<40xi32, #tpu.memory_space<vmem>>) target_semaphore(%dma_start3A_31 : memref<!tpu.dma_semaphore, #tpu.memory_space<semaphore_mem>>)
    %add3A_36 = arith.constant 40 : i32
    %add3A_37 = arith.addi %mul3A_10, %add3A_36 : i32
    %dma_start3A_38 = arith.constant 1 : i32
    %dma_start3A_39 = arith.constant 1 : i32
    %dma_start3A_40 = arith.constant 0 : i32
    %dma_start3A_41 = tpu.memref_slice %arg8[%dma_start3A_38, %dma_start3A_40] : memref<5x40xi32, #tpu.memory_space<vmem>> -> memref<1x40xi32, #tpu.memory_space<vmem>>
    %dma_start3A_42 = tpu.memref_squeeze %dma_start3A_41 : memref<1x40xi32, #tpu.memory_space<vmem>> -> memref<40xi32, #tpu.memory_space<vmem>>
    %dma_start3A_43 = tpu.memref_slice %arg3[%add3A_37] : memref<320000xi32, #tpu.memory_space<hbm>> -> memref<40xi32, #tpu.memory_space<hbm>>
    %dma_start3A_44 = tpu.memref_slice %arg12[%dma_start3A_39] : memref<5x!tpu.dma_semaphore, #tpu.memory_space<semaphore_mem>> -> memref<1x!tpu.dma_semaphore, #tpu.memory_space<semaphore_mem>>
    %dma_start3A_45 = tpu.memref_squeeze %dma_start3A_44 : memref<1x!tpu.dma_semaphore, #tpu.memory_space<semaphore_mem>> -> memref<!tpu.dma_semaphore, #tpu.memory_space<semaphore_mem>>
    %dma_start3A_46 = arith.constant 0 : i32
    %dma_start3A_47 = tpu.memref_slice %arg8[%dma_start3A_38, %dma_start3A_46] : memref<5x40xi32, #tpu.memory_space<vmem>> -> memref<1x40xi32, #tpu.memory_space<vmem>>
    %dma_start3A_48 = tpu.memref_squeeze %dma_start3A_47 : memref<1x40xi32, #tpu.memory_space<vmem>> -> memref<40xi32, #tpu.memory_space<vmem>>
    %dma_start3A_49 = tpu.memref_slice %arg3[%add3A_37] : memref<320000xi32, #tpu.memory_space<hbm>> -> memref<40xi32, #tpu.memory_space<hbm>>
    tpu.enqueue_dma source(%dma_start3A_49 : memref<40xi32, #tpu.memory_space<hbm>>) target(%dma_start3A_48 : memref<40xi32, #tpu.memory_space<vmem>>) target_semaphore(%dma_start3A_45 : memref<!tpu.dma_semaphore, #tpu.memory_space<semaphore_mem>>)
    %dma_start3A_50 = arith.constant 1 : i32
    %dma_start3A_51 = arith.constant 1 : i32
    %dma_start3A_52 = arith.constant 0 : i32
    %dma_start3A_53 = tpu.memref_slice %arg9[%dma_start3A_50, %dma_start3A_52] : memref<5x40xi32, #tpu.memory_space<vmem>> -> memref<1x40xi32, #tpu.memory_space<vmem>>
    %dma_start3A_54 = tpu.memref_squeeze %dma_start3A_53 : memref<1x40xi32, #tpu.memory_space<vmem>> -> memref<40xi32, #tpu.memory_space<vmem>>
    %dma_start3A_55 = tpu.memref_slice %arg4[%add3A_37] : memref<320000xi32, #tpu.memory_space<hbm>> -> memref<40xi32, #tpu.memory_space<hbm>>
    %dma_start3A_56 = tpu.memref_slice %arg12[%dma_start3A_51] : memref<5x!tpu.dma_semaphore, #tpu.memory_space<semaphore_mem>> -> memref<1x!tpu.dma_semaphore, #tpu.memory_space<semaphore_mem>>
    %dma_start3A_57 = tpu.memref_squeeze %dma_start3A_56 : memref<1x!tpu.dma_semaphore, #tpu.memory_space<semaphore_mem>> -> memref<!tpu.dma_semaphore, #tpu.memory_space<semaphore_mem>>
    %dma_start3A_58 = arith.constant 0 : i32
    %dma_start3A_59 = tpu.memref_slice %arg9[%dma_start3A_50, %dma_start3A_58] : memref<5x40xi32, #tpu.memory_space<vmem>> -> memref<1x40xi32, #tpu.memory_space<vmem>>
    %dma_start3A_60 = tpu.memref_squeeze %dma_start3A_59 : memref<1x40xi32, #tpu.memory_space<vmem>> -> memref<40xi32, #tpu.memory_space<vmem>>
    %dma_start3A_61 = tpu.memref_slice %arg4[%add3A_37] : memref<320000xi32, #tpu.memory_space<hbm>> -> memref<40xi32, #tpu.memory_space<hbm>>
    tpu.enqueue_dma source(%dma_start3A_61 : memref<40xi32, #tpu.memory_space<hbm>>) target(%dma_start3A_60 : memref<40xi32, #tpu.memory_space<vmem>>) target_semaphore(%dma_start3A_57 : memref<!tpu.dma_semaphore, #tpu.memory_space<semaphore_mem>>)
    %add3A_62 = arith.constant 80 : i32
    %add3A_63 = arith.addi %mul3A_10, %add3A_62 : i32
    %dma_start3A_64 = arith.constant 2 : i32
    %dma_start3A_65 = arith.constant 2 : i32
    %dma_start3A_66 = arith.constant 0 : i32
    %dma_start3A_67 = tpu.memref_slice %arg8[%dma_start3A_64, %dma_start3A_66] : memref<5x40xi32, #tpu.memory_space<vmem>> -> memref<1x40xi32, #tpu.memory_space<vmem>>
    %dma_start3A_68 = tpu.memref_squeeze %dma_start3A_67 : memref<1x40xi32, #tpu.memory_space<vmem>> -> memref<40xi32, #tpu.memory_space<vmem>>
    %dma_start3A_69 = tpu.memref_slice %arg3[%add3A_63] : memref<320000xi32, #tpu.memory_space<hbm>> -> memref<40xi32, #tpu.memory_space<hbm>>
    %dma_start3A_70 = tpu.memref_slice %arg12[%dma_start3A_65] : memref<5x!tpu.dma_semaphore, #tpu.memory_space<semaphore_mem>> -> memref<1x!tpu.dma_semaphore, #tpu.memory_space<semaphore_mem>>
    %dma_start3A_71 = tpu.memref_squeeze %dma_start3A_70 : memref<1x!tpu.dma_semaphore, #tpu.memory_space<semaphore_mem>> -> memref<!tpu.dma_semaphore, #tpu.memory_space<semaphore_mem>>
    %dma_start3A_72 = arith.constant 0 : i32
    %dma_start3A_73 = tpu.memref_slice %arg8[%dma_start3A_64, %dma_start3A_72] : memref<5x40xi32, #tpu.memory_space<vmem>> -> memref<1x40xi32, #tpu.memory_space<vmem>>
    %dma_start3A_74 = tpu.memref_squeeze %dma_start3A_73 : memref<1x40xi32, #tpu.memory_space<vmem>> -> memref<40xi32, #tpu.memory_space<vmem>>
    %dma_start3A_75 = tpu.memref_slice %arg3[%add3A_63] : memref<320000xi32, #tpu.memory_space<hbm>> -> memref<40xi32, #tpu.memory_space<hbm>>
    tpu.enqueue_dma source(%dma_start3A_75 : memref<40xi32, #tpu.memory_space<hbm>>) target(%dma_start3A_74 : memref<40xi32, #tpu.memory_space<vmem>>) target_semaphore(%dma_start3A_71 : memref<!tpu.dma_semaphore, #tpu.memory_space<semaphore_mem>>)
    %dma_start3A_76 = arith.constant 2 : i32
    %dma_start3A_77 = arith.constant 2 : i32
    %dma_start3A_78 = arith.constant 0 : i32
    %dma_start3A_79 = tpu.memref_slice %arg9[%dma_start3A_76, %dma_start3A_78] : memref<5x40xi32, #tpu.memory_space<vmem>> -> memref<1x40xi32, #tpu.memory_space<vmem>>
    %dma_start3A_80 = tpu.memref_squeeze %dma_start3A_79 : memref<1x40xi32, #tpu.memory_space<vmem>> -> memref<40xi32, #tpu.memory_space<vmem>>
    %dma_start3A_81 = tpu.memref_slice %arg4[%add3A_63] : memref<320000xi32, #tpu.memory_space<hbm>> -> memref<40xi32, #tpu.memory_space<hbm>>
    %dma_start3A_82 = tpu.memref_slice %arg12[%dma_start3A_77] : memref<5x!tpu.dma_semaphore, #tpu.memory_space<semaphore_mem>> -> memref<1x!tpu.dma_semaphore, #tpu.memory_space<semaphore_mem>>
    %dma_start3A_83 = tpu.memref_squeeze %dma_start3A_82 : memref<1x!tpu.dma_semaphore, #tpu.memory_space<semaphore_mem>> -> memref<!tpu.dma_semaphore, #tpu.memory_space<semaphore_mem>>
    %dma_start3A_84 = arith.constant 0 : i32
    %dma_start3A_85 = tpu.memref_slice %arg9[%dma_start3A_76, %dma_start3A_84] : memref<5x40xi32, #tpu.memory_space<vmem>> -> memref<1x40xi32, #tpu.memory_space<vmem>>
    %dma_start3A_86 = tpu.memref_squeeze %dma_start3A_85 : memref<1x40xi32, #tpu.memory_space<vmem>> -> memref<40xi32, #tpu.memory_space<vmem>>
    %dma_start3A_87 = tpu.memref_slice %arg4[%add3A_63] : memref<320000xi32, #tpu.memory_space<hbm>> -> memref<40xi32, #tpu.memory_space<hbm>>
    tpu.enqueue_dma source(%dma_start3A_87 : memref<40xi32, #tpu.memory_space<hbm>>) target(%dma_start3A_86 : memref<40xi32, #tpu.memory_space<vmem>>) target_semaphore(%dma_start3A_83 : memref<!tpu.dma_semaphore, #tpu.memory_space<semaphore_mem>>)
    %add3A_88 = arith.constant 120 : i32
    %add3A_89 = arith.addi %mul3A_10, %add3A_88 : i32
    %dma_start3A_90 = arith.constant 3 : i32
    %dma_start3A_91 = arith.constant 3 : i32
    %dma_start3A_92 = arith.constant 0 : i32
    %dma_start3A_93 = tpu.memref_slice %arg8[%dma_start3A_90, %dma_start3A_92] : memref<5x40xi32, #tpu.memory_space<vmem>> -> memref<1x40xi32, #tpu.memory_space<vmem>>
    %dma_start3A_94 = tpu.memref_squeeze %dma_start3A_93 : memref<1x40xi32, #tpu.memory_space<vmem>> -> memref<40xi32, #tpu.memory_space<vmem>>
    %dma_start3A_95 = tpu.memref_slice %arg3[%add3A_89] : memref<320000xi32, #tpu.memory_space<hbm>> -> memref<40xi32, #tpu.memory_space<hbm>>
    %dma_start3A_96 = tpu.memref_slice %arg12[%dma_start3A_91] : memref<5x!tpu.dma_semaphore, #tpu.memory_space<semaphore_mem>> -> memref<1x!tpu.dma_semaphore, #tpu.memory_space<semaphore_mem>>
    %dma_start3A_97 = tpu.memref_squeeze %dma_start3A_96 : memref<1x!tpu.dma_semaphore, #tpu.memory_space<semaphore_mem>> -> memref<!tpu.dma_semaphore, #tpu.memory_space<semaphore_mem>>
    %dma_start3A_98 = arith.constant 0 : i32
    %dma_start3A_99 = tpu.memref_slice %arg8[%dma_start3A_90, %dma_start3A_98] : memref<5x40xi32, #tpu.memory_space<vmem>> -> memref<1x40xi32, #tpu.memory_space<vmem>>
    %dma_start3A_100 = tpu.memref_squeeze %dma_start3A_99 : memref<1x40xi32, #tpu.memory_space<vmem>> -> memref<40xi32, #tpu.memory_space<vmem>>
    %dma_start3A_101 = tpu.memref_slice %arg3[%add3A_89] : memref<320000xi32, #tpu.memory_space<hbm>> -> memref<40xi32, #tpu.memory_space<hbm>>
    tpu.enqueue_dma source(%dma_start3A_101 : memref<40xi32, #tpu.memory_space<hbm>>) target(%dma_start3A_100 : memref<40xi32, #tpu.memory_space<vmem>>) target_semaphore(%dma_start3A_97 : memref<!tpu.dma_semaphore, #tpu.memory_space<semaphore_mem>>)
    %dma_start3A_102 = arith.constant 3 : i32
    %dma_start3A_103 = arith.constant 3 : i32
    %dma_start3A_104 = arith.constant 0 : i32
    %dma_start3A_105 = tpu.memref_slice %arg9[%dma_start3A_102, %dma_start3A_104] : memref<5x40xi32, #tpu.memory_space<vmem>> -> memref<1x40xi32, #tpu.memory_space<vmem>>
    %dma_start3A_106 = tpu.memref_squeeze %dma_start3A_105 : memref<1x40xi32, #tpu.memory_space<vmem>> -> memref<40xi32, #tpu.memory_space<vmem>>
    %dma_start3A_107 = tpu.memref_slice %arg4[%add3A_89] : memref<320000xi32, #tpu.memory_space<hbm>> -> memref<40xi32, #tpu.memory_space<hbm>>
    %dma_start3A_108 = tpu.memref_slice %arg12[%dma_start3A_103] : memref<5x!tpu.dma_semaphore, #tpu.memory_space<semaphore_mem>> -> memref<1x!tpu.dma_semaphore, #tpu.memory_space<semaphore_mem>>
    %dma_start3A_109 = tpu.memref_squeeze %dma_start3A_108 : memref<1x!tpu.dma_semaphore, #tpu.memory_space<semaphore_mem>> -> memref<!tpu.dma_semaphore, #tpu.memory_space<semaphore_mem>>
    %dma_start3A_110 = arith.constant 0 : i32
    %dma_start3A_111 = tpu.memref_slice %arg9[%dma_start3A_102, %dma_start3A_110] : memref<5x40xi32, #tpu.memory_space<vmem>> -> memref<1x40xi32, #tpu.memory_space<vmem>>
    %dma_start3A_112 = tpu.memref_squeeze %dma_start3A_111 : memref<1x40xi32, #tpu.memory_space<vmem>> -> memref<40xi32, #tpu.memory_space<vmem>>
    %dma_start3A_113 = tpu.memref_slice %arg4[%add3A_89] : memref<320000xi32, #tpu.memory_space<hbm>> -> memref<40xi32, #tpu.memory_space<hbm>>
    tpu.enqueue_dma source(%dma_start3A_113 : memref<40xi32, #tpu.memory_space<hbm>>) target(%dma_start3A_112 : memref<40xi32, #tpu.memory_space<vmem>>) target_semaphore(%dma_start3A_109 : memref<!tpu.dma_semaphore, #tpu.memory_space<semaphore_mem>>)
    %add3A_114 = arith.constant 160 : i32
    %add3A_115 = arith.addi %mul3A_10, %add3A_114 : i32
    %dma_start3A_116 = arith.constant 4 : i32
    %dma_start3A_117 = arith.constant 4 : i32
    %dma_start3A_118 = arith.constant 0 : i32
    %dma_start3A_119 = tpu.memref_slice %arg8[%dma_start3A_116, %dma_start3A_118] : memref<5x40xi32, #tpu.memory_space<vmem>> -> memref<1x40xi32, #tpu.memory_space<vmem>>
    %dma_start3A_120 = tpu.memref_squeeze %dma_start3A_119 : memref<1x40xi32, #tpu.memory_space<vmem>> -> memref<40xi32, #tpu.memory_space<vmem>>
    %dma_start3A_121 = tpu.memref_slice %arg3[%add3A_115] : memref<320000xi32, #tpu.memory_space<hbm>> -> memref<40xi32, #tpu.memory_space<hbm>>
    %dma_start3A_122 = tpu.memref_slice %arg12[%dma_start3A_117] : memref<5x!tpu.dma_semaphore, #tpu.memory_space<semaphore_mem>> -> memref<1x!tpu.dma_semaphore, #tpu.memory_space<semaphore_mem>>
    %dma_start3A_123 = tpu.memref_squeeze %dma_start3A_122 : memref<1x!tpu.dma_semaphore, #tpu.memory_space<semaphore_mem>> -> memref<!tpu.dma_semaphore, #tpu.memory_space<semaphore_mem>>
    %dma_start3A_124 = arith.constant 0 : i32
    %dma_start3A_125 = tpu.memref_slice %arg8[%dma_start3A_116, %dma_start3A_124] : memref<5x40xi32, #tpu.memory_space<vmem>> -> memref<1x40xi32, #tpu.memory_space<vmem>>
    %dma_start3A_126 = tpu.memref_squeeze %dma_start3A_125 : memref<1x40xi32, #tpu.memory_space<vmem>> -> memref<40xi32, #tpu.memory_space<vmem>>
    %dma_start3A_127 = tpu.memref_slice %arg3[%add3A_115] : memref<320000xi32, #tpu.memory_space<hbm>> -> memref<40xi32, #tpu.memory_space<hbm>>
    tpu.enqueue_dma source(%dma_start3A_127 : memref<40xi32, #tpu.memory_space<hbm>>) target(%dma_start3A_126 : memref<40xi32, #tpu.memory_space<vmem>>) target_semaphore(%dma_start3A_123 : memref<!tpu.dma_semaphore, #tpu.memory_space<semaphore_mem>>)
    %dma_start3A_128 = arith.constant 4 : i32
    %dma_start3A_129 = arith.constant 4 : i32
    %dma_start3A_130 = arith.constant 0 : i32
    %dma_start3A_131 = tpu.memref_slice %arg9[%dma_start3A_128, %dma_start3A_130] : memref<5x40xi32, #tpu.memory_space<vmem>> -> memref<1x40xi32, #tpu.memory_space<vmem>>
    %dma_start3A_132 = tpu.memref_squeeze %dma_start3A_131 : memref<1x40xi32, #tpu.memory_space<vmem>> -> memref<40xi32, #tpu.memory_space<vmem>>
    %dma_start3A_133 = tpu.memref_slice %arg4[%add3A_115] : memref<320000xi32, #tpu.memory_space<hbm>> -> memref<40xi32, #tpu.memory_space<hbm>>
    %dma_start3A_134 = tpu.memref_slice %arg12[%dma_start3A_129] : memref<5x!tpu.dma_semaphore, #tpu.memory_space<semaphore_mem>> -> memref<1x!tpu.dma_semaphore, #tpu.memory_space<semaphore_mem>>
    %dma_start3A_135 = tpu.memref_squeeze %dma_start3A_134 : memref<1x!tpu.dma_semaphore, #tpu.memory_space<semaphore_mem>> -> memref<!tpu.dma_semaphore, #tpu.memory_space<semaphore_mem>>
    %dma_start3A_136 = arith.constant 0 : i32
    %dma_start3A_137 = tpu.memref_slice %arg9[%dma_start3A_128, %dma_start3A_136] : memref<5x40xi32, #tpu.memory_space<vmem>> -> memref<1x40xi32, #tpu.memory_space<vmem>>
    %dma_start3A_138 = tpu.memref_squeeze %dma_start3A_137 : memref<1x40xi32, #tpu.memory_space<vmem>> -> memref<40xi32, #tpu.memory_space<vmem>>
    %dma_start3A_139 = tpu.memref_slice %arg4[%add3A_115] : memref<320000xi32, #tpu.memory_space<hbm>> -> memref<40xi32, #tpu.memory_space<hbm>>
    tpu.enqueue_dma source(%dma_start3A_139 : memref<40xi32, #tpu.memory_space<hbm>>) target(%dma_start3A_138 : memref<40xi32, #tpu.memory_space<vmem>>) target_semaphore(%dma_start3A_135 : memref<!tpu.dma_semaphore, #tpu.memory_space<semaphore_mem>>)
    %scan3A = arith.constant 0 : i32
    %scan3A_140 = arith.constant 0 : i32
    %scan3A_141 = arith.constant 50 : i32
    %scan3A_142 = arith.addi %scan3A_140, %scan3A_141 : i32
    %scan3A_143 = arith.constant 1 : i32
    scf.for %scan3A_156 = %scan3A_140 to %scan3A_142 step %scan3A_143  : i32 {
      %mul3A_157 = arith.constant 5 : i32
      %mul3A_158 = arith.muli %scan3A_156, %mul3A_157 : i32
      %add3A_159 = arith.constant 0 : i32
      %add3A_160 = arith.addi %mul3A_158, %add3A_159 : i32
      %mul3A_161 = arith.constant 40 : i32
      %mul3A_162 = arith.muli %add3A_160, %mul3A_161 : i32
      %add3A_163 = arith.addi %mul3A_10, %mul3A_162 : i32
      %dma_wait3A = arith.constant 0 : i32
      %dma_wait3A_164 = arith.constant 0 : i32
      %dma_wait3A_165 = arith.constant 0 : i32
      %dma_wait3A_166 = tpu.memref_slice %arg8[%dma_wait3A, %dma_wait3A_165] : memref<5x40xi32, #tpu.memory_space<vmem>> -> memref<1x40xi32, #tpu.memory_space<vmem>>
      %dma_wait3A_167 = tpu.memref_squeeze %dma_wait3A_166 : memref<1x40xi32, #tpu.memory_space<vmem>> -> memref<40xi32, #tpu.memory_space<vmem>>
      %dma_wait3A_168 = tpu.memref_slice %arg3[%add3A_163] : memref<320000xi32, #tpu.memory_space<hbm>> -> memref<40xi32, #tpu.memory_space<hbm>>
      %dma_wait3A_169 = tpu.memref_slice %arg12[%dma_wait3A_164] : memref<5x!tpu.dma_semaphore, #tpu.memory_space<semaphore_mem>> -> memref<1x!tpu.dma_semaphore, #tpu.memory_space<semaphore_mem>>
      %dma_wait3A_170 = tpu.memref_squeeze %dma_wait3A_169 : memref<1x!tpu.dma_semaphore, #tpu.memory_space<semaphore_mem>> -> memref<!tpu.dma_semaphore, #tpu.memory_space<semaphore_mem>>
      %dma_wait3A_171 = arith.constant 0 : i32
      %dma_wait3A_172 = tpu.memref_slice %arg8[%dma_wait3A, %dma_wait3A_171] : memref<5x40xi32, #tpu.memory_space<vmem>> -> memref<1x40xi32, #tpu.memory_space<vmem>>
      %dma_wait3A_173 = tpu.memref_squeeze %dma_wait3A_172 : memref<1x40xi32, #tpu.memory_space<vmem>> -> memref<40xi32, #tpu.memory_space<vmem>>
      %dma_wait3A_174 = tpu.memref_slice %arg3[%add3A_163] : memref<320000xi32, #tpu.memory_space<hbm>> -> memref<40xi32, #tpu.memory_space<hbm>>
      tpu.wait_dma2 semaphore(%dma_wait3A_170 : memref<!tpu.dma_semaphore, #tpu.memory_space<semaphore_mem>>) src(%dma_wait3A_174 : memref<40xi32, #tpu.memory_space<hbm>>) dst(%dma_wait3A_173 : memref<40xi32, #tpu.memory_space<vmem>>)
      %dma_wait3A_175 = arith.constant 0 : i32
      %dma_wait3A_176 = arith.constant 0 : i32
      %dma_wait3A_177 = arith.constant 0 : i32
      %dma_wait3A_178 = tpu.memref_slice %arg9[%dma_wait3A_175, %dma_wait3A_177] : memref<5x40xi32, #tpu.memory_space<vmem>> -> memref<1x40xi32, #tpu.memory_space<vmem>>
      %dma_wait3A_179 = tpu.memref_squeeze %dma_wait3A_178 : memref<1x40xi32, #tpu.memory_space<vmem>> -> memref<40xi32, #tpu.memory_space<vmem>>
      %dma_wait3A_180 = tpu.memref_slice %arg4[%add3A_163] : memref<320000xi32, #tpu.memory_space<hbm>> -> memref<40xi32, #tpu.memory_space<hbm>>
      %dma_wait3A_181 = tpu.memref_slice %arg12[%dma_wait3A_176] : memref<5x!tpu.dma_semaphore, #tpu.memory_space<semaphore_mem>> -> memref<1x!tpu.dma_semaphore, #tpu.memory_space<semaphore_mem>>
      %dma_wait3A_182 = tpu.memref_squeeze %dma_wait3A_181 : memref<1x!tpu.dma_semaphore, #tpu.memory_space<semaphore_mem>> -> memref<!tpu.dma_semaphore, #tpu.memory_space<semaphore_mem>>
      %dma_wait3A_183 = arith.constant 0 : i32
      %dma_wait3A_184 = tpu.memref_slice %arg9[%dma_wait3A_175, %dma_wait3A_183] : memref<5x40xi32, #tpu.memory_space<vmem>> -> memref<1x40xi32, #tpu.memory_space<vmem>>
      %dma_wait3A_185 = tpu.memref_squeeze %dma_wait3A_184 : memref<1x40xi32, #tpu.memory_space<vmem>> -> memref<40xi32, #tpu.memory_space<vmem>>
      %dma_wait3A_186 = tpu.memref_slice %arg4[%add3A_163] : memref<320000xi32, #tpu.memory_space<hbm>> -> memref<40xi32, #tpu.memory_space<hbm>>
      tpu.wait_dma2 semaphore(%dma_wait3A_182 : memref<!tpu.dma_semaphore, #tpu.memory_space<semaphore_mem>>) src(%dma_wait3A_186 : memref<40xi32, #tpu.memory_space<hbm>>) dst(%dma_wait3A_185 : memref<40xi32, #tpu.memory_space<vmem>>)
      %dma_start3A_187 = arith.constant 0 : i32
      %dma_start3A_188 = arith.constant 0 : i32
      %dma_start3A_189 = arith.constant 0 : i32
      %dma_start3A_190 = arith.constant 0 : i32
      %dma_start3A_191 = arith.constant 0 : i32
      %dma_start3A_192 = tpu.memref_slice %arg10[%dma_start3A_188, %dma_start3A_190, %dma_start3A_191] : memref<5x40x144xf32, #tpu.memory_space<vmem>> -> memref<1x40x144xf32, #tpu.memory_space<vmem>>
      %dma_start3A_193 = tpu.memref_squeeze %dma_start3A_192 : memref<1x40x144xf32, #tpu.memory_space<vmem>> -> memref<40x144xf32, #tpu.memory_space<vmem>>
      %dma_start3A_194 = arith.constant 0 : i32
      %dma_start3A_195 = tpu.memref_slice %arg8[%dma_start3A_187, %dma_start3A_194] : memref<5x40xi32, #tpu.memory_space<vmem>> -> memref<1x40xi32, #tpu.memory_space<vmem>>
      %dma_start3A_196 = tpu.memref_squeeze %dma_start3A_195 : memref<1x40xi32, #tpu.memory_space<vmem>> -> memref<40xi32, #tpu.memory_space<vmem>>
      %dma_start3A_197 = arith.constant 0 : i32
      %dma_start3A_198 = arith.constant 0 : i32
      %dma_start3A_199 = tpu.memref_slice %arg2[%dma_start3A_197, %dma_start3A_198] : memref<10240x144xf32, #tpu.memory_space<hbm>> -> memref<10240x144xf32, #tpu.memory_space<hbm>>
      %dma_start3A_200 = tpu.memref_slice %arg13[%dma_start3A_189] : memref<5x!tpu.dma_semaphore, #tpu.memory_space<semaphore_mem>> -> memref<1x!tpu.dma_semaphore, #tpu.memory_space<semaphore_mem>>
      %dma_start3A_201 = tpu.memref_squeeze %dma_start3A_200 : memref<1x!tpu.dma_semaphore, #tpu.memory_space<semaphore_mem>> -> memref<!tpu.dma_semaphore, #tpu.memory_space<semaphore_mem>>
      tpu.enqueue_indirect_dma source(%dma_start3A_199 : memref<10240x144xf32, #tpu.memory_space<hbm>>) target(%dma_start3A_193 : memref<40x144xf32, #tpu.memory_space<vmem>>) offsets(%dma_start3A_196 : memref<40xi32, #tpu.memory_space<vmem>>) semaphore(%dma_start3A_201 : memref<!tpu.dma_semaphore, #tpu.memory_space<semaphore_mem>>)
      %mul3A_202 = arith.constant 5 : i32
      %mul3A_203 = arith.muli %scan3A_156, %mul3A_202 : i32
      %add3A_204 = arith.constant 1 : i32
      %add3A_205 = arith.addi %mul3A_203, %add3A_204 : i32
      %mul3A_206 = arith.constant 40 : i32
      %mul3A_207 = arith.muli %add3A_205, %mul3A_206 : i32
      %add3A_208 = arith.addi %mul3A_10, %mul3A_207 : i32
      %dma_wait3A_209 = arith.constant 1 : i32
      %dma_wait3A_210 = arith.constant 1 : i32
      %dma_wait3A_211 = arith.constant 0 : i32
      %dma_wait3A_212 = tpu.memref_slice %arg8[%dma_wait3A_209, %dma_wait3A_211] : memref<5x40xi32, #tpu.memory_space<vmem>> -> memref<1x40xi32, #tpu.memory_space<vmem>>
      %dma_wait3A_213 = tpu.memref_squeeze %dma_wait3A_212 : memref<1x40xi32, #tpu.memory_space<vmem>> -> memref<40xi32, #tpu.memory_space<vmem>>
      %dma_wait3A_214 = tpu.memref_slice %arg3[%add3A_208] : memref<320000xi32, #tpu.memory_space<hbm>> -> memref<40xi32, #tpu.memory_space<hbm>>
      %dma_wait3A_215 = tpu.memref_slice %arg12[%dma_wait3A_210] : memref<5x!tpu.dma_semaphore, #tpu.memory_space<semaphore_mem>> -> memref<1x!tpu.dma_semaphore, #tpu.memory_space<semaphore_mem>>
      %dma_wait3A_216 = tpu.memref_squeeze %dma_wait3A_215 : memref<1x!tpu.dma_semaphore, #tpu.memory_space<semaphore_mem>> -> memref<!tpu.dma_semaphore, #tpu.memory_space<semaphore_mem>>
      %dma_wait3A_217 = arith.constant 0 : i32
      %dma_wait3A_218 = tpu.memref_slice %arg8[%dma_wait3A_209, %dma_wait3A_217] : memref<5x40xi32, #tpu.memory_space<vmem>> -> memref<1x40xi32, #tpu.memory_space<vmem>>
      %dma_wait3A_219 = tpu.memref_squeeze %dma_wait3A_218 : memref<1x40xi32, #tpu.memory_space<vmem>> -> memref<40xi32, #tpu.memory_space<vmem>>
      %dma_wait3A_220 = tpu.memref_slice %arg3[%add3A_208] : memref<320000xi32, #tpu.memory_space<hbm>> -> memref<40xi32, #tpu.memory_space<hbm>>
      tpu.wait_dma2 semaphore(%dma_wait3A_216 : memref<!tpu.dma_semaphore, #tpu.memory_space<semaphore_mem>>) src(%dma_wait3A_220 : memref<40xi32, #tpu.memory_space<hbm>>) dst(%dma_wait3A_219 : memref<40xi32, #tpu.memory_space<vmem>>)
      %dma_wait3A_221 = arith.constant 1 : i32
      %dma_wait3A_222 = arith.constant 1 : i32
      %dma_wait3A_223 = arith.constant 0 : i32
      %dma_wait3A_224 = tpu.memref_slice %arg9[%dma_wait3A_221, %dma_wait3A_223] : memref<5x40xi32, #tpu.memory_space<vmem>> -> memref<1x40xi32, #tpu.memory_space<vmem>>
      %dma_wait3A_225 = tpu.memref_squeeze %dma_wait3A_224 : memref<1x40xi32, #tpu.memory_space<vmem>> -> memref<40xi32, #tpu.memory_space<vmem>>
      %dma_wait3A_226 = tpu.memref_slice %arg4[%add3A_208] : memref<320000xi32, #tpu.memory_space<hbm>> -> memref<40xi32, #tpu.memory_space<hbm>>
      %dma_wait3A_227 = tpu.memref_slice %arg12[%dma_wait3A_222] : memref<5x!tpu.dma_semaphore, #tpu.memory_space<semaphore_mem>> -> memref<1x!tpu.dma_semaphore, #tpu.memory_space<semaphore_mem>>
      %dma_wait3A_228 = tpu.memref_squeeze %dma_wait3A_227 : memref<1x!tpu.dma_semaphore, #tpu.memory_space<semaphore_mem>> -> memref<!tpu.dma_semaphore, #tpu.memory_space<semaphore_mem>>
      %dma_wait3A_229 = arith.constant 0 : i32
      %dma_wait3A_230 = tpu.memref_slice %arg9[%dma_wait3A_221, %dma_wait3A_229] : memref<5x40xi32, #tpu.memory_space<vmem>> -> memref<1x40xi32, #tpu.memory_space<vmem>>
      %dma_wait3A_231 = tpu.memref_squeeze %dma_wait3A_230 : memref<1x40xi32, #tpu.memory_space<vmem>> -> memref<40xi32, #tpu.memory_space<vmem>>
      %dma_wait3A_232 = tpu.memref_slice %arg4[%add3A_208] : memref<320000xi32, #tpu.memory_space<hbm>> -> memref<40xi32, #tpu.memory_space<hbm>>
      tpu.wait_dma2 semaphore(%dma_wait3A_228 : memref<!tpu.dma_semaphore, #tpu.memory_space<semaphore_mem>>) src(%dma_wait3A_232 : memref<40xi32, #tpu.memory_space<hbm>>) dst(%dma_wait3A_231 : memref<40xi32, #tpu.memory_space<vmem>>)
      %dma_start3A_233 = arith.constant 1 : i32
      %dma_start3A_234 = arith.constant 1 : i32
      %dma_start3A_235 = arith.constant 1 : i32
      %dma_start3A_236 = arith.constant 0 : i32
      %dma_start3A_237 = arith.constant 0 : i32
      %dma_start3A_238 = tpu.memref_slice %arg10[%dma_start3A_234, %dma_start3A_236, %dma_start3A_237] : memref<5x40x144xf32, #tpu.memory_space<vmem>> -> memref<1x40x144xf32, #tpu.memory_space<vmem>>
      %dma_start3A_239 = tpu.memref_squeeze %dma_start3A_238 : memref<1x40x144xf32, #tpu.memory_space<vmem>> -> memref<40x144xf32, #tpu.memory_space<vmem>>
      %dma_start3A_240 = arith.constant 0 : i32
      %dma_start3A_241 = tpu.memref_slice %arg8[%dma_start3A_233, %dma_start3A_240] : memref<5x40xi32, #tpu.memory_space<vmem>> -> memref<1x40xi32, #tpu.memory_space<vmem>>
      %dma_start3A_242 = tpu.memref_squeeze %dma_start3A_241 : memref<1x40xi32, #tpu.memory_space<vmem>> -> memref<40xi32, #tpu.memory_space<vmem>>
      %dma_start3A_243 = arith.constant 0 : i32
      %dma_start3A_244 = arith.constant 0 : i32
      %dma_start3A_245 = tpu.memref_slice %arg2[%dma_start3A_243, %dma_start3A_244] : memref<10240x144xf32, #tpu.memory_space<hbm>> -> memref<10240x144xf32, #tpu.memory_space<hbm>>
      %dma_start3A_246 = tpu.memref_slice %arg13[%dma_start3A_235] : memref<5x!tpu.dma_semaphore, #tpu.memory_space<semaphore_mem>> -> memref<1x!tpu.dma_semaphore, #tpu.memory_space<semaphore_mem>>
      %dma_start3A_247 = tpu.memref_squeeze %dma_start3A_246 : memref<1x!tpu.dma_semaphore, #tpu.memory_space<semaphore_mem>> -> memref<!tpu.dma_semaphore, #tpu.memory_space<semaphore_mem>>
      tpu.enqueue_indirect_dma source(%dma_start3A_245 : memref<10240x144xf32, #tpu.memory_space<hbm>>) target(%dma_start3A_239 : memref<40x144xf32, #tpu.memory_space<vmem>>) offsets(%dma_start3A_242 : memref<40xi32, #tpu.memory_space<vmem>>) semaphore(%dma_start3A_247 : memref<!tpu.dma_semaphore, #tpu.memory_space<semaphore_mem>>)
      %mul3A_248 = arith.constant 5 : i32
      %mul3A_249 = arith.muli %scan3A_156, %mul3A_248 : i32
      %add3A_250 = arith.constant 2 : i32
      %add3A_251 = arith.addi %mul3A_249, %add3A_250 : i32
      %mul3A_252 = arith.constant 40 : i32
      %mul3A_253 = arith.muli %add3A_251, %mul3A_252 : i32
      %add3A_254 = arith.addi %mul3A_10, %mul3A_253 : i32
      %dma_wait3A_255 = arith.constant 2 : i32
      %dma_wait3A_256 = arith.constant 2 : i32
      %dma_wait3A_257 = arith.constant 0 : i32
      %dma_wait3A_258 = tpu.memref_slice %arg8[%dma_wait3A_255, %dma_wait3A_257] : memref<5x40xi32, #tpu.memory_space<vmem>> -> memref<1x40xi32, #tpu.memory_space<vmem>>
      %dma_wait3A_259 = tpu.memref_squeeze %dma_wait3A_258 : memref<1x40xi32, #tpu.memory_space<vmem>> -> memref<40xi32, #tpu.memory_space<vmem>>
      %dma_wait3A_260 = tpu.memref_slice %arg3[%add3A_254] : memref<320000xi32, #tpu.memory_space<hbm>> -> memref<40xi32, #tpu.memory_space<hbm>>
      %dma_wait3A_261 = tpu.memref_slice %arg12[%dma_wait3A_256] : memref<5x!tpu.dma_semaphore, #tpu.memory_space<semaphore_mem>> -> memref<1x!tpu.dma_semaphore, #tpu.memory_space<semaphore_mem>>
      %dma_wait3A_262 = tpu.memref_squeeze %dma_wait3A_261 : memref<1x!tpu.dma_semaphore, #tpu.memory_space<semaphore_mem>> -> memref<!tpu.dma_semaphore, #tpu.memory_space<semaphore_mem>>
      %dma_wait3A_263 = arith.constant 0 : i32
      %dma_wait3A_264 = tpu.memref_slice %arg8[%dma_wait3A_255, %dma_wait3A_263] : memref<5x40xi32, #tpu.memory_space<vmem>> -> memref<1x40xi32, #tpu.memory_space<vmem>>
      %dma_wait3A_265 = tpu.memref_squeeze %dma_wait3A_264 : memref<1x40xi32, #tpu.memory_space<vmem>> -> memref<40xi32, #tpu.memory_space<vmem>>
      %dma_wait3A_266 = tpu.memref_slice %arg3[%add3A_254] : memref<320000xi32, #tpu.memory_space<hbm>> -> memref<40xi32, #tpu.memory_space<hbm>>
      tpu.wait_dma2 semaphore(%dma_wait3A_262 : memref<!tpu.dma_semaphore, #tpu.memory_space<semaphore_mem>>) src(%dma_wait3A_266 : memref<40xi32, #tpu.memory_space<hbm>>) dst(%dma_wait3A_265 : memref<40xi32, #tpu.memory_space<vmem>>)
      %dma_wait3A_267 = arith.constant 2 : i32
      %dma_wait3A_268 = arith.constant 2 : i32
      %dma_wait3A_269 = arith.constant 0 : i32
      %dma_wait3A_270 = tpu.memref_slice %arg9[%dma_wait3A_267, %dma_wait3A_269] : memref<5x40xi32, #tpu.memory_space<vmem>> -> memref<1x40xi32, #tpu.memory_space<vmem>>
      %dma_wait3A_271 = tpu.memref_squeeze %dma_wait3A_270 : memref<1x40xi32, #tpu.memory_space<vmem>> -> memref<40xi32, #tpu.memory_space<vmem>>
      %dma_wait3A_272 = tpu.memref_slice %arg4[%add3A_254] : memref<320000xi32, #tpu.memory_space<hbm>> -> memref<40xi32, #tpu.memory_space<hbm>>
      %dma_wait3A_273 = tpu.memref_slice %arg12[%dma_wait3A_268] : memref<5x!tpu.dma_semaphore, #tpu.memory_space<semaphore_mem>> -> memref<1x!tpu.dma_semaphore, #tpu.memory_space<semaphore_mem>>
      %dma_wait3A_274 = tpu.memref_squeeze %dma_wait3A_273 : memref<1x!tpu.dma_semaphore, #tpu.memory_space<semaphore_mem>> -> memref<!tpu.dma_semaphore, #tpu.memory_space<semaphore_mem>>
      %dma_wait3A_275 = arith.constant 0 : i32
      %dma_wait3A_276 = tpu.memref_slice %arg9[%dma_wait3A_267, %dma_wait3A_275] : memref<5x40xi32, #tpu.memory_space<vmem>> -> memref<1x40xi32, #tpu.memory_space<vmem>>
      %dma_wait3A_277 = tpu.memref_squeeze %dma_wait3A_276 : memref<1x40xi32, #tpu.memory_space<vmem>> -> memref<40xi32, #tpu.memory_space<vmem>>
      %dma_wait3A_278 = tpu.memref_slice %arg4[%add3A_254] : memref<320000xi32, #tpu.memory_space<hbm>> -> memref<40xi32, #tpu.memory_space<hbm>>
      tpu.wait_dma2 semaphore(%dma_wait3A_274 : memref<!tpu.dma_semaphore, #tpu.memory_space<semaphore_mem>>) src(%dma_wait3A_278 : memref<40xi32, #tpu.memory_space<hbm>>) dst(%dma_wait3A_277 : memref<40xi32, #tpu.memory_space<vmem>>)
      %dma_start3A_279 = arith.constant 2 : i32
      %dma_start3A_280 = arith.constant 2 : i32
      %dma_start3A_281 = arith.constant 2 : i32
      %dma_start3A_282 = arith.constant 0 : i32
      %dma_start3A_283 = arith.constant 0 : i32
      %dma_start3A_284 = tpu.memref_slice %arg10[%dma_start3A_280, %dma_start3A_282, %dma_start3A_283] : memref<5x40x144xf32, #tpu.memory_space<vmem>> -> memref<1x40x144xf32, #tpu.memory_space<vmem>>
      %dma_start3A_285 = tpu.memref_squeeze %dma_start3A_284 : memref<1x40x144xf32, #tpu.memory_space<vmem>> -> memref<40x144xf32, #tpu.memory_space<vmem>>
      %dma_start3A_286 = arith.constant 0 : i32
      %dma_start3A_287 = tpu.memref_slice %arg8[%dma_start3A_279, %dma_start3A_286] : memref<5x40xi32, #tpu.memory_space<vmem>> -> memref<1x40xi32, #tpu.memory_space<vmem>>
      %dma_start3A_288 = tpu.memref_squeeze %dma_start3A_287 : memref<1x40xi32, #tpu.memory_space<vmem>> -> memref<40xi32, #tpu.memory_space<vmem>>
      %dma_start3A_289 = arith.constant 0 : i32
      %dma_start3A_290 = arith.constant 0 : i32
      %dma_start3A_291 = tpu.memref_slice %arg2[%dma_start3A_289, %dma_start3A_290] : memref<10240x144xf32, #tpu.memory_space<hbm>> -> memref<10240x144xf32, #tpu.memory_space<hbm>>
      %dma_start3A_292 = tpu.memref_slice %arg13[%dma_start3A_281] : memref<5x!tpu.dma_semaphore, #tpu.memory_space<semaphore_mem>> -> memref<1x!tpu.dma_semaphore, #tpu.memory_space<semaphore_mem>>
      %dma_start3A_293 = tpu.memref_squeeze %dma_start3A_292 : memref<1x!tpu.dma_semaphore, #tpu.memory_space<semaphore_mem>> -> memref<!tpu.dma_semaphore, #tpu.memory_space<semaphore_mem>>
      tpu.enqueue_indirect_dma source(%dma_start3A_291 : memref<10240x144xf32, #tpu.memory_space<hbm>>) target(%dma_start3A_285 : memref<40x144xf32, #tpu.memory_space<vmem>>) offsets(%dma_start3A_288 : memref<40xi32, #tpu.memory_space<vmem>>) semaphore(%dma_start3A_293 : memref<!tpu.dma_semaphore, #tpu.memory_space<semaphore_mem>>)
      %mul3A_294 = arith.constant 5 : i32
      %mul3A_295 = arith.muli %scan3A_156, %mul3A_294 : i32
      %add3A_296 = arith.constant 3 : i32
      %add3A_297 = arith.addi %mul3A_295, %add3A_296 : i32
      %mul3A_298 = arith.constant 40 : i32
      %mul3A_299 = arith.muli %add3A_297, %mul3A_298 : i32
      %add3A_300 = arith.addi %mul3A_10, %mul3A_299 : i32
      %dma_wait3A_301 = arith.constant 3 : i32
      %dma_wait3A_302 = arith.constant 3 : i32
      %dma_wait3A_303 = arith.constant 0 : i32
      %dma_wait3A_304 = tpu.memref_slice %arg8[%dma_wait3A_301, %dma_wait3A_303] : memref<5x40xi32, #tpu.memory_space<vmem>> -> memref<1x40xi32, #tpu.memory_space<vmem>>
      %dma_wait3A_305 = tpu.memref_squeeze %dma_wait3A_304 : memref<1x40xi32, #tpu.memory_space<vmem>> -> memref<40xi32, #tpu.memory_space<vmem>>
      %dma_wait3A_306 = tpu.memref_slice %arg3[%add3A_300] : memref<320000xi32, #tpu.memory_space<hbm>> -> memref<40xi32, #tpu.memory_space<hbm>>
      %dma_wait3A_307 = tpu.memref_slice %arg12[%dma_wait3A_302] : memref<5x!tpu.dma_semaphore, #tpu.memory_space<semaphore_mem>> -> memref<1x!tpu.dma_semaphore, #tpu.memory_space<semaphore_mem>>
      %dma_wait3A_308 = tpu.memref_squeeze %dma_wait3A_307 : memref<1x!tpu.dma_semaphore, #tpu.memory_space<semaphore_mem>> -> memref<!tpu.dma_semaphore, #tpu.memory_space<semaphore_mem>>
      %dma_wait3A_309 = arith.constant 0 : i32
      %dma_wait3A_310 = tpu.memref_slice %arg8[%dma_wait3A_301, %dma_wait3A_309] : memref<5x40xi32, #tpu.memory_space<vmem>> -> memref<1x40xi32, #tpu.memory_space<vmem>>
      %dma_wait3A_311 = tpu.memref_squeeze %dma_wait3A_310 : memref<1x40xi32, #tpu.memory_space<vmem>> -> memref<40xi32, #tpu.memory_space<vmem>>
      %dma_wait3A_312 = tpu.memref_slice %arg3[%add3A_300] : memref<320000xi32, #tpu.memory_space<hbm>> -> memref<40xi32, #tpu.memory_space<hbm>>
      tpu.wait_dma2 semaphore(%dma_wait3A_308 : memref<!tpu.dma_semaphore, #tpu.memory_space<semaphore_mem>>) src(%dma_wait3A_312 : memref<40xi32, #tpu.memory_space<hbm>>) dst(%dma_wait3A_311 : memref<40xi32, #tpu.memory_space<vmem>>)
      %dma_wait3A_313 = arith.constant 3 : i32
      %dma_wait3A_314 = arith.constant 3 : i32
      %dma_wait3A_315 = arith.constant 0 : i32
      %dma_wait3A_316 = tpu.memref_slice %arg9[%dma_wait3A_313, %dma_wait3A_315] : memref<5x40xi32, #tpu.memory_space<vmem>> -> memref<1x40xi32, #tpu.memory_space<vmem>>
      %dma_wait3A_317 = tpu.memref_squeeze %dma_wait3A_316 : memref<1x40xi32, #tpu.memory_space<vmem>> -> memref<40xi32, #tpu.memory_space<vmem>>
      %dma_wait3A_318 = tpu.memref_slice %arg4[%add3A_300] : memref<320000xi32, #tpu.memory_space<hbm>> -> memref<40xi32, #tpu.memory_space<hbm>>
      %dma_wait3A_319 = tpu.memref_slice %arg12[%dma_wait3A_314] : memref<5x!tpu.dma_semaphore, #tpu.memory_space<semaphore_mem>> -> memref<1x!tpu.dma_semaphore, #tpu.memory_space<semaphore_mem>>
      %dma_wait3A_320 = tpu.memref_squeeze %dma_wait3A_319 : memref<1x!tpu.dma_semaphore, #tpu.memory_space<semaphore_mem>> -> memref<!tpu.dma_semaphore, #tpu.memory_space<semaphore_mem>>
      %dma_wait3A_321 = arith.constant 0 : i32
      %dma_wait3A_322 = tpu.memref_slice %arg9[%dma_wait3A_313, %dma_wait3A_321] : memref<5x40xi32, #tpu.memory_space<vmem>> -> memref<1x40xi32, #tpu.memory_space<vmem>>
      %dma_wait3A_323 = tpu.memref_squeeze %dma_wait3A_322 : memref<1x40xi32, #tpu.memory_space<vmem>> -> memref<40xi32, #tpu.memory_space<vmem>>
      %dma_wait3A_324 = tpu.memref_slice %arg4[%add3A_300] : memref<320000xi32, #tpu.memory_space<hbm>> -> memref<40xi32, #tpu.memory_space<hbm>>
      tpu.wait_dma2 semaphore(%dma_wait3A_320 : memref<!tpu.dma_semaphore, #tpu.memory_space<semaphore_mem>>) src(%dma_wait3A_324 : memref<40xi32, #tpu.memory_space<hbm>>) dst(%dma_wait3A_323 : memref<40xi32, #tpu.memory_space<vmem>>)
      %dma_start3A_325 = arith.constant 3 : i32
      %dma_start3A_326 = arith.constant 3 : i32
      %dma_start3A_327 = arith.constant 3 : i32
      %dma_start3A_328 = arith.constant 0 : i32
      %dma_start3A_329 = arith.constant 0 : i32
      %dma_start3A_330 = tpu.memref_slice %arg10[%dma_start3A_326, %dma_start3A_328, %dma_start3A_329] : memref<5x40x144xf32, #tpu.memory_space<vmem>> -> memref<1x40x144xf32, #tpu.memory_space<vmem>>
      %dma_start3A_331 = tpu.memref_squeeze %dma_start3A_330 : memref<1x40x144xf32, #tpu.memory_space<vmem>> -> memref<40x144xf32, #tpu.memory_space<vmem>>
      %dma_start3A_332 = arith.constant 0 : i32
      %dma_start3A_333 = tpu.memref_slice %arg8[%dma_start3A_325, %dma_start3A_332] : memref<5x40xi32, #tpu.memory_space<vmem>> -> memref<1x40xi32, #tpu.memory_space<vmem>>
      %dma_start3A_334 = tpu.memref_squeeze %dma_start3A_333 : memref<1x40xi32, #tpu.memory_space<vmem>> -> memref<40xi32, #tpu.memory_space<vmem>>
      %dma_start3A_335 = arith.constant 0 : i32
      %dma_start3A_336 = arith.constant 0 : i32
      %dma_start3A_337 = tpu.memref_slice %arg2[%dma_start3A_335, %dma_start3A_336] : memref<10240x144xf32, #tpu.memory_space<hbm>> -> memref<10240x144xf32, #tpu.memory_space<hbm>>
      %dma_start3A_338 = tpu.memref_slice %arg13[%dma_start3A_327] : memref<5x!tpu.dma_semaphore, #tpu.memory_space<semaphore_mem>> -> memref<1x!tpu.dma_semaphore, #tpu.memory_space<semaphore_mem>>
      %dma_start3A_339 = tpu.memref_squeeze %dma_start3A_338 : memref<1x!tpu.dma_semaphore, #tpu.memory_space<semaphore_mem>> -> memref<!tpu.dma_semaphore, #tpu.memory_space<semaphore_mem>>
      tpu.enqueue_indirect_dma source(%dma_start3A_337 : memref<10240x144xf32, #tpu.memory_space<hbm>>) target(%dma_start3A_331 : memref<40x144xf32, #tpu.memory_space<vmem>>) offsets(%dma_start3A_334 : memref<40xi32, #tpu.memory_space<vmem>>) semaphore(%dma_start3A_339 : memref<!tpu.dma_semaphore, #tpu.memory_space<semaphore_mem>>)
      %mul3A_340 = arith.constant 5 : i32
      %mul3A_341 = arith.muli %scan3A_156, %mul3A_340 : i32
      %add3A_342 = arith.constant 4 : i32
      %add3A_343 = arith.addi %mul3A_341, %add3A_342 : i32
      %mul3A_344 = arith.constant 40 : i32
      %mul3A_345 = arith.muli %add3A_343, %mul3A_344 : i32
      %add3A_346 = arith.addi %mul3A_10, %mul3A_345 : i32
      %dma_wait3A_347 = arith.constant 4 : i32
      %dma_wait3A_348 = arith.constant 4 : i32
      %dma_wait3A_349 = arith.constant 0 : i32
      %dma_wait3A_350 = tpu.memref_slice %arg8[%dma_wait3A_347, %dma_wait3A_349] : memref<5x40xi32, #tpu.memory_space<vmem>> -> memref<1x40xi32, #tpu.memory_space<vmem>>
      %dma_wait3A_351 = tpu.memref_squeeze %dma_wait3A_350 : memref<1x40xi32, #tpu.memory_space<vmem>> -> memref<40xi32, #tpu.memory_space<vmem>>
      %dma_wait3A_352 = tpu.memref_slice %arg3[%add3A_346] : memref<320000xi32, #tpu.memory_space<hbm>> -> memref<40xi32, #tpu.memory_space<hbm>>
      %dma_wait3A_353 = tpu.memref_slice %arg12[%dma_wait3A_348] : memref<5x!tpu.dma_semaphore, #tpu.memory_space<semaphore_mem>> -> memref<1x!tpu.dma_semaphore, #tpu.memory_space<semaphore_mem>>
      %dma_wait3A_354 = tpu.memref_squeeze %dma_wait3A_353 : memref<1x!tpu.dma_semaphore, #tpu.memory_space<semaphore_mem>> -> memref<!tpu.dma_semaphore, #tpu.memory_space<semaphore_mem>>
      %dma_wait3A_355 = arith.constant 0 : i32
      %dma_wait3A_356 = tpu.memref_slice %arg8[%dma_wait3A_347, %dma_wait3A_355] : memref<5x40xi32, #tpu.memory_space<vmem>> -> memref<1x40xi32, #tpu.memory_space<vmem>>
      %dma_wait3A_357 = tpu.memref_squeeze %dma_wait3A_356 : memref<1x40xi32, #tpu.memory_space<vmem>> -> memref<40xi32, #tpu.memory_space<vmem>>
      %dma_wait3A_358 = tpu.memref_slice %arg3[%add3A_346] : memref<320000xi32, #tpu.memory_space<hbm>> -> memref<40xi32, #tpu.memory_space<hbm>>
      tpu.wait_dma2 semaphore(%dma_wait3A_354 : memref<!tpu.dma_semaphore, #tpu.memory_space<semaphore_mem>>) src(%dma_wait3A_358 : memref<40xi32, #tpu.memory_space<hbm>>) dst(%dma_wait3A_357 : memref<40xi32, #tpu.memory_space<vmem>>)
      %dma_wait3A_359 = arith.constant 4 : i32
      %dma_wait3A_360 = arith.constant 4 : i32
      %dma_wait3A_361 = arith.constant 0 : i32
      %dma_wait3A_362 = tpu.memref_slice %arg9[%dma_wait3A_359, %dma_wait3A_361] : memref<5x40xi32, #tpu.memory_space<vmem>> -> memref<1x40xi32, #tpu.memory_space<vmem>>
      %dma_wait3A_363 = tpu.memref_squeeze %dma_wait3A_362 : memref<1x40xi32, #tpu.memory_space<vmem>> -> memref<40xi32, #tpu.memory_space<vmem>>
      %dma_wait3A_364 = tpu.memref_slice %arg4[%add3A_346] : memref<320000xi32, #tpu.memory_space<hbm>> -> memref<40xi32, #tpu.memory_space<hbm>>
      %dma_wait3A_365 = tpu.memref_slice %arg12[%dma_wait3A_360] : memref<5x!tpu.dma_semaphore, #tpu.memory_space<semaphore_mem>> -> memref<1x!tpu.dma_semaphore, #tpu.memory_space<semaphore_mem>>
      %dma_wait3A_366 = tpu.memref_squeeze %dma_wait3A_365 : memref<1x!tpu.dma_semaphore, #tpu.memory_space<semaphore_mem>> -> memref<!tpu.dma_semaphore, #tpu.memory_space<semaphore_mem>>
      %dma_wait3A_367 = arith.constant 0 : i32
      %dma_wait3A_368 = tpu.memref_slice %arg9[%dma_wait3A_359, %dma_wait3A_367] : memref<5x40xi32, #tpu.memory_space<vmem>> -> memref<1x40xi32, #tpu.memory_space<vmem>>
      %dma_wait3A_369 = tpu.memref_squeeze %dma_wait3A_368 : memref<1x40xi32, #tpu.memory_space<vmem>> -> memref<40xi32, #tpu.memory_space<vmem>>
      %dma_wait3A_370 = tpu.memref_slice %arg4[%add3A_346] : memref<320000xi32, #tpu.memory_space<hbm>> -> memref<40xi32, #tpu.memory_space<hbm>>
      tpu.wait_dma2 semaphore(%dma_wait3A_366 : memref<!tpu.dma_semaphore, #tpu.memory_space<semaphore_mem>>) src(%dma_wait3A_370 : memref<40xi32, #tpu.memory_space<hbm>>) dst(%dma_wait3A_369 : memref<40xi32, #tpu.memory_space<vmem>>)
      %dma_start3A_371 = arith.constant 4 : i32
      %dma_start3A_372 = arith.constant 4 : i32
      %dma_start3A_373 = arith.constant 4 : i32
      %dma_start3A_374 = arith.constant 0 : i32
      %dma_start3A_375 = arith.constant 0 : i32
      %dma_start3A_376 = tpu.memref_slice %arg10[%dma_start3A_372, %dma_start3A_374, %dma_start3A_375] : memref<5x40x144xf32, #tpu.memory_space<vmem>> -> memref<1x40x144xf32, #tpu.memory_space<vmem>>
      %dma_start3A_377 = tpu.memref_squeeze %dma_start3A_376 : memref<1x40x144xf32, #tpu.memory_space<vmem>> -> memref<40x144xf32, #tpu.memory_space<vmem>>
      %dma_start3A_378 = arith.constant 0 : i32
      %dma_start3A_379 = tpu.memref_slice %arg8[%dma_start3A_371, %dma_start3A_378] : memref<5x40xi32, #tpu.memory_space<vmem>> -> memref<1x40xi32, #tpu.memory_space<vmem>>
      %dma_start3A_380 = tpu.memref_squeeze %dma_start3A_379 : memref<1x40xi32, #tpu.memory_space<vmem>> -> memref<40xi32, #tpu.memory_space<vmem>>
      %dma_start3A_381 = arith.constant 0 : i32
      %dma_start3A_382 = arith.constant 0 : i32
      %dma_start3A_383 = tpu.memref_slice %arg2[%dma_start3A_381, %dma_start3A_382] : memref<10240x144xf32, #tpu.memory_space<hbm>> -> memref<10240x144xf32, #tpu.memory_space<hbm>>
      %dma_start3A_384 = tpu.memref_slice %arg13[%dma_start3A_373] : memref<5x!tpu.dma_semaphore, #tpu.memory_space<semaphore_mem>> -> memref<1x!tpu.dma_semaphore, #tpu.memory_space<semaphore_mem>>
      %dma_start3A_385 = tpu.memref_squeeze %dma_start3A_384 : memref<1x!tpu.dma_semaphore, #tpu.memory_space<semaphore_mem>> -> memref<!tpu.dma_semaphore, #tpu.memory_space<semaphore_mem>>
      tpu.enqueue_indirect_dma source(%dma_start3A_383 : memref<10240x144xf32, #tpu.memory_space<hbm>>) target(%dma_start3A_377 : memref<40x144xf32, #tpu.memory_space<vmem>>) offsets(%dma_start3A_380 : memref<40xi32, #tpu.memory_space<vmem>>) semaphore(%dma_start3A_385 : memref<!tpu.dma_semaphore, #tpu.memory_space<semaphore_mem>>)
      %dma_wait3A_386 = arith.constant 0 : i32
      %dma_wait3A_387 = arith.constant 0 : i32
      %dma_wait3A_388 = arith.constant 0 : i32
      %dma_wait3A_389 = arith.constant 0 : i32
      %dma_wait3A_390 = arith.constant 0 : i32
      %dma_wait3A_391 = tpu.memref_slice %arg10[%dma_wait3A_387, %dma_wait3A_389, %dma_wait3A_390] : memref<5x40x144xf32, #tpu.memory_space<vmem>> -> memref<1x40x144xf32, #tpu.memory_space<vmem>>
      %dma_wait3A_392 = tpu.memref_squeeze %dma_wait3A_391 : memref<1x40x144xf32, #tpu.memory_space<vmem>> -> memref<40x144xf32, #tpu.memory_space<vmem>>
      %dma_wait3A_393 = arith.constant 0 : i32
      %dma_wait3A_394 = tpu.memref_slice %arg8[%dma_wait3A_386, %dma_wait3A_393] : memref<5x40xi32, #tpu.memory_space<vmem>> -> memref<1x40xi32, #tpu.memory_space<vmem>>
      %dma_wait3A_395 = tpu.memref_squeeze %dma_wait3A_394 : memref<1x40xi32, #tpu.memory_space<vmem>> -> memref<40xi32, #tpu.memory_space<vmem>>
      %dma_wait3A_396 = arith.constant 0 : i32
      %dma_wait3A_397 = arith.constant 0 : i32
      %dma_wait3A_398 = tpu.memref_slice %arg2[%dma_wait3A_396, %dma_wait3A_397] : memref<10240x144xf32, #tpu.memory_space<hbm>> -> memref<10240x144xf32, #tpu.memory_space<hbm>>
      %dma_wait3A_399 = tpu.memref_slice %arg13[%dma_wait3A_388] : memref<5x!tpu.dma_semaphore, #tpu.memory_space<semaphore_mem>> -> memref<1x!tpu.dma_semaphore, #tpu.memory_space<semaphore_mem>>
      %dma_wait3A_400 = tpu.memref_squeeze %dma_wait3A_399 : memref<1x!tpu.dma_semaphore, #tpu.memory_space<semaphore_mem>> -> memref<!tpu.dma_semaphore, #tpu.memory_space<semaphore_mem>>
      tpu.wait_indirect_dma semaphore(%dma_wait3A_400 : memref<!tpu.dma_semaphore, #tpu.memory_space<semaphore_mem>>) src(%dma_wait3A_398 : memref<10240x144xf32, #tpu.memory_space<hbm>>) dst(%dma_wait3A_392 : memref<40x144xf32, #tpu.memory_space<vmem>>)
      %dma_start3A_401 = arith.constant 0 : i32
      %dma_start3A_402 = arith.constant 0 : i32
      %dma_start3A_403 = arith.constant 0 : i32
      %dma_start3A_404 = arith.constant 0 : i32
      %dma_start3A_405 = arith.constant 0 : i32
      %dma_start3A_406 = tpu.memref_slice %arg10[%dma_start3A_401, %dma_start3A_404, %dma_start3A_405] : memref<5x40x144xf32, #tpu.memory_space<vmem>> -> memref<1x40x144xf32, #tpu.memory_space<vmem>>
      %dma_start3A_407 = tpu.memref_squeeze %dma_start3A_406 : memref<1x40x144xf32, #tpu.memory_space<vmem>> -> memref<40x144xf32, #tpu.memory_space<vmem>>
      %dma_start3A_408 = arith.constant 0 : i32
      %dma_start3A_409 = tpu.memref_slice %arg9[%dma_start3A_402, %dma_start3A_408] : memref<5x40xi32, #tpu.memory_space<vmem>> -> memref<1x40xi32, #tpu.memory_space<vmem>>
      %dma_start3A_410 = tpu.memref_squeeze %dma_start3A_409 : memref<1x40xi32, #tpu.memory_space<vmem>> -> memref<40xi32, #tpu.memory_space<vmem>>
      %dma_start3A_411 = arith.constant 0 : i32
      %dma_start3A_412 = arith.constant 0 : i32
      %dma_start3A_413 = tpu.memref_slice %arg11[%dma_start3A_411, %dma_start3A_412] : memref<10240x144xf32, #tpu.memory_space<vmem_shared>> -> memref<10240x144xf32, #tpu.memory_space<vmem_shared>>
      %dma_start3A_414 = tpu.memref_slice %arg14[%dma_start3A_403] : memref<5x!tpu.dma_semaphore, #tpu.memory_space<semaphore_mem>> -> memref<1x!tpu.dma_semaphore, #tpu.memory_space<semaphore_mem>>
      %dma_start3A_415 = tpu.memref_squeeze %dma_start3A_414 : memref<1x!tpu.dma_semaphore, #tpu.memory_space<semaphore_mem>> -> memref<!tpu.dma_semaphore, #tpu.memory_space<semaphore_mem>>
      tpu.enqueue_indirect_dma source(%dma_start3A_407 : memref<40x144xf32, #tpu.memory_space<vmem>>) target(%dma_start3A_413 : memref<10240x144xf32, #tpu.memory_space<vmem_shared>>) offsets(%dma_start3A_410 : memref<40xi32, #tpu.memory_space<vmem>>) semaphore(%dma_start3A_415 : memref<!tpu.dma_semaphore, #tpu.memory_space<semaphore_mem>>) {add = true}
      %dma_wait3A_416 = arith.constant 1 : i32
      %dma_wait3A_417 = arith.constant 1 : i32
      %dma_wait3A_418 = arith.constant 1 : i32
      %dma_wait3A_419 = arith.constant 0 : i32
      %dma_wait3A_420 = arith.constant 0 : i32
      %dma_wait3A_421 = tpu.memref_slice %arg10[%dma_wait3A_417, %dma_wait3A_419, %dma_wait3A_420] : memref<5x40x144xf32, #tpu.memory_space<vmem>> -> memref<1x40x144xf32, #tpu.memory_space<vmem>>
      %dma_wait3A_422 = tpu.memref_squeeze %dma_wait3A_421 : memref<1x40x144xf32, #tpu.memory_space<vmem>> -> memref<40x144xf32, #tpu.memory_space<vmem>>
      %dma_wait3A_423 = arith.constant 0 : i32
      %dma_wait3A_424 = tpu.memref_slice %arg8[%dma_wait3A_416, %dma_wait3A_423] : memref<5x40xi32, #tpu.memory_space<vmem>> -> memref<1x40xi32, #tpu.memory_space<vmem>>
      %dma_wait3A_425 = tpu.memref_squeeze %dma_wait3A_424 : memref<1x40xi32, #tpu.memory_space<vmem>> -> memref<40xi32, #tpu.memory_space<vmem>>
      %dma_wait3A_426 = arith.constant 0 : i32
      %dma_wait3A_427 = arith.constant 0 : i32
      %dma_wait3A_428 = tpu.memref_slice %arg2[%dma_wait3A_426, %dma_wait3A_427] : memref<10240x144xf32, #tpu.memory_space<hbm>> -> memref<10240x144xf32, #tpu.memory_space<hbm>>
      %dma_wait3A_429 = tpu.memref_slice %arg13[%dma_wait3A_418] : memref<5x!tpu.dma_semaphore, #tpu.memory_space<semaphore_mem>> -> memref<1x!tpu.dma_semaphore, #tpu.memory_space<semaphore_mem>>
      %dma_wait3A_430 = tpu.memref_squeeze %dma_wait3A_429 : memref<1x!tpu.dma_semaphore, #tpu.memory_space<semaphore_mem>> -> memref<!tpu.dma_semaphore, #tpu.memory_space<semaphore_mem>>
      tpu.wait_indirect_dma semaphore(%dma_wait3A_430 : memref<!tpu.dma_semaphore, #tpu.memory_space<semaphore_mem>>) src(%dma_wait3A_428 : memref<10240x144xf32, #tpu.memory_space<hbm>>) dst(%dma_wait3A_422 : memref<40x144xf32, #tpu.memory_space<vmem>>)
      %dma_start3A_431 = arith.constant 1 : i32
      %dma_start3A_432 = arith.constant 1 : i32
      %dma_start3A_433 = arith.constant 1 : i32
      %dma_start3A_434 = arith.constant 0 : i32
      %dma_start3A_435 = arith.constant 0 : i32
      %dma_start3A_436 = tpu.memref_slice %arg10[%dma_start3A_431, %dma_start3A_434, %dma_start3A_435] : memref<5x40x144xf32, #tpu.memory_space<vmem>> -> memref<1x40x144xf32, #tpu.memory_space<vmem>>
      %dma_start3A_437 = tpu.memref_squeeze %dma_start3A_436 : memref<1x40x144xf32, #tpu.memory_space<vmem>> -> memref<40x144xf32, #tpu.memory_space<vmem>>
      %dma_start3A_438 = arith.constant 0 : i32
      %dma_start3A_439 = tpu.memref_slice %arg9[%dma_start3A_432, %dma_start3A_438] : memref<5x40xi32, #tpu.memory_space<vmem>> -> memref<1x40xi32, #tpu.memory_space<vmem>>
      %dma_start3A_440 = tpu.memref_squeeze %dma_start3A_439 : memref<1x40xi32, #tpu.memory_space<vmem>> -> memref<40xi32, #tpu.memory_space<vmem>>
      %dma_start3A_441 = arith.constant 0 : i32
      %dma_start3A_442 = arith.constant 0 : i32
      %dma_start3A_443 = tpu.memref_slice %arg11[%dma_start3A_441, %dma_start3A_442] : memref<10240x144xf32, #tpu.memory_space<vmem_shared>> -> memref<10240x144xf32, #tpu.memory_space<vmem_shared>>
      %dma_start3A_444 = tpu.memref_slice %arg14[%dma_start3A_433] : memref<5x!tpu.dma_semaphore, #tpu.memory_space<semaphore_mem>> -> memref<1x!tpu.dma_semaphore, #tpu.memory_space<semaphore_mem>>
      %dma_start3A_445 = tpu.memref_squeeze %dma_start3A_444 : memref<1x!tpu.dma_semaphore, #tpu.memory_space<semaphore_mem>> -> memref<!tpu.dma_semaphore, #tpu.memory_space<semaphore_mem>>
      tpu.enqueue_indirect_dma source(%dma_start3A_437 : memref<40x144xf32, #tpu.memory_space<vmem>>) target(%dma_start3A_443 : memref<10240x144xf32, #tpu.memory_space<vmem_shared>>) offsets(%dma_start3A_440 : memref<40xi32, #tpu.memory_space<vmem>>) semaphore(%dma_start3A_445 : memref<!tpu.dma_semaphore, #tpu.memory_space<semaphore_mem>>) {add = true}
      %dma_wait3A_446 = arith.constant 2 : i32
      %dma_wait3A_447 = arith.constant 2 : i32
      %dma_wait3A_448 = arith.constant 2 : i32
      %dma_wait3A_449 = arith.constant 0 : i32
      %dma_wait3A_450 = arith.constant 0 : i32
      %dma_wait3A_451 = tpu.memref_slice %arg10[%dma_wait3A_447, %dma_wait3A_449, %dma_wait3A_450] : memref<5x40x144xf32, #tpu.memory_space<vmem>> -> memref<1x40x144xf32, #tpu.memory_space<vmem>>
      %dma_wait3A_452 = tpu.memref_squeeze %dma_wait3A_451 : memref<1x40x144xf32, #tpu.memory_space<vmem>> -> memref<40x144xf32, #tpu.memory_space<vmem>>
      %dma_wait3A_453 = arith.constant 0 : i32
      %dma_wait3A_454 = tpu.memref_slice %arg8[%dma_wait3A_446, %dma_wait3A_453] : memref<5x40xi32, #tpu.memory_space<vmem>> -> memref<1x40xi32, #tpu.memory_space<vmem>>
      %dma_wait3A_455 = tpu.memref_squeeze %dma_wait3A_454 : memref<1x40xi32, #tpu.memory_space<vmem>> -> memref<40xi32, #tpu.memory_space<vmem>>
      %dma_wait3A_456 = arith.constant 0 : i32
      %dma_wait3A_457 = arith.constant 0 : i32
      %dma_wait3A_458 = tpu.memref_slice %arg2[%dma_wait3A_456, %dma_wait3A_457] : memref<10240x144xf32, #tpu.memory_space<hbm>> -> memref<10240x144xf32, #tpu.memory_space<hbm>>
      %dma_wait3A_459 = tpu.memref_slice %arg13[%dma_wait3A_448] : memref<5x!tpu.dma_semaphore, #tpu.memory_space<semaphore_mem>> -> memref<1x!tpu.dma_semaphore, #tpu.memory_space<semaphore_mem>>
      %dma_wait3A_460 = tpu.memref_squeeze %dma_wait3A_459 : memref<1x!tpu.dma_semaphore, #tpu.memory_space<semaphore_mem>> -> memref<!tpu.dma_semaphore, #tpu.memory_space<semaphore_mem>>
      tpu.wait_indirect_dma semaphore(%dma_wait3A_460 : memref<!tpu.dma_semaphore, #tpu.memory_space<semaphore_mem>>) src(%dma_wait3A_458 : memref<10240x144xf32, #tpu.memory_space<hbm>>) dst(%dma_wait3A_452 : memref<40x144xf32, #tpu.memory_space<vmem>>)
      %dma_start3A_461 = arith.constant 2 : i32
      %dma_start3A_462 = arith.constant 2 : i32
      %dma_start3A_463 = arith.constant 2 : i32
      %dma_start3A_464 = arith.constant 0 : i32
      %dma_start3A_465 = arith.constant 0 : i32
      %dma_start3A_466 = tpu.memref_slice %arg10[%dma_start3A_461, %dma_start3A_464, %dma_start3A_465] : memref<5x40x144xf32, #tpu.memory_space<vmem>> -> memref<1x40x144xf32, #tpu.memory_space<vmem>>
      %dma_start3A_467 = tpu.memref_squeeze %dma_start3A_466 : memref<1x40x144xf32, #tpu.memory_space<vmem>> -> memref<40x144xf32, #tpu.memory_space<vmem>>
      %dma_start3A_468 = arith.constant 0 : i32
      %dma_start3A_469 = tpu.memref_slice %arg9[%dma_start3A_462, %dma_start3A_468] : memref<5x40xi32, #tpu.memory_space<vmem>> -> memref<1x40xi32, #tpu.memory_space<vmem>>
      %dma_start3A_470 = tpu.memref_squeeze %dma_start3A_469 : memref<1x40xi32, #tpu.memory_space<vmem>> -> memref<40xi32, #tpu.memory_space<vmem>>
      %dma_start3A_471 = arith.constant 0 : i32
      %dma_start3A_472 = arith.constant 0 : i32
      %dma_start3A_473 = tpu.memref_slice %arg11[%dma_start3A_471, %dma_start3A_472] : memref<10240x144xf32, #tpu.memory_space<vmem_shared>> -> memref<10240x144xf32, #tpu.memory_space<vmem_shared>>
      %dma_start3A_474 = tpu.memref_slice %arg14[%dma_start3A_463] : memref<5x!tpu.dma_semaphore, #tpu.memory_space<semaphore_mem>> -> memref<1x!tpu.dma_semaphore, #tpu.memory_space<semaphore_mem>>
      %dma_start3A_475 = tpu.memref_squeeze %dma_start3A_474 : memref<1x!tpu.dma_semaphore, #tpu.memory_space<semaphore_mem>> -> memref<!tpu.dma_semaphore, #tpu.memory_space<semaphore_mem>>
      tpu.enqueue_indirect_dma source(%dma_start3A_467 : memref<40x144xf32, #tpu.memory_space<vmem>>) target(%dma_start3A_473 : memref<10240x144xf32, #tpu.memory_space<vmem_shared>>) offsets(%dma_start3A_470 : memref<40xi32, #tpu.memory_space<vmem>>) semaphore(%dma_start3A_475 : memref<!tpu.dma_semaphore, #tpu.memory_space<semaphore_mem>>) {add = true}
      %dma_wait3A_476 = arith.constant 3 : i32
      %dma_wait3A_477 = arith.constant 3 : i32
      %dma_wait3A_478 = arith.constant 3 : i32
      %dma_wait3A_479 = arith.constant 0 : i32
      %dma_wait3A_480 = arith.constant 0 : i32
      %dma_wait3A_481 = tpu.memref_slice %arg10[%dma_wait3A_477, %dma_wait3A_479, %dma_wait3A_480] : memref<5x40x144xf32, #tpu.memory_space<vmem>> -> memref<1x40x144xf32, #tpu.memory_space<vmem>>
      %dma_wait3A_482 = tpu.memref_squeeze %dma_wait3A_481 : memref<1x40x144xf32, #tpu.memory_space<vmem>> -> memref<40x144xf32, #tpu.memory_space<vmem>>
      %dma_wait3A_483 = arith.constant 0 : i32
      %dma_wait3A_484 = tpu.memref_slice %arg8[%dma_wait3A_476, %dma_wait3A_483] : memref<5x40xi32, #tpu.memory_space<vmem>> -> memref<1x40xi32, #tpu.memory_space<vmem>>
      %dma_wait3A_485 = tpu.memref_squeeze %dma_wait3A_484 : memref<1x40xi32, #tpu.memory_space<vmem>> -> memref<40xi32, #tpu.memory_space<vmem>>
      %dma_wait3A_486 = arith.constant 0 : i32
      %dma_wait3A_487 = arith.constant 0 : i32
      %dma_wait3A_488 = tpu.memref_slice %arg2[%dma_wait3A_486, %dma_wait3A_487] : memref<10240x144xf32, #tpu.memory_space<hbm>> -> memref<10240x144xf32, #tpu.memory_space<hbm>>
      %dma_wait3A_489 = tpu.memref_slice %arg13[%dma_wait3A_478] : memref<5x!tpu.dma_semaphore, #tpu.memory_space<semaphore_mem>> -> memref<1x!tpu.dma_semaphore, #tpu.memory_space<semaphore_mem>>
      %dma_wait3A_490 = tpu.memref_squeeze %dma_wait3A_489 : memref<1x!tpu.dma_semaphore, #tpu.memory_space<semaphore_mem>> -> memref<!tpu.dma_semaphore, #tpu.memory_space<semaphore_mem>>
      tpu.wait_indirect_dma semaphore(%dma_wait3A_490 : memref<!tpu.dma_semaphore, #tpu.memory_space<semaphore_mem>>) src(%dma_wait3A_488 : memref<10240x144xf32, #tpu.memory_space<hbm>>) dst(%dma_wait3A_482 : memref<40x144xf32, #tpu.memory_space<vmem>>)
      %dma_start3A_491 = arith.constant 3 : i32
      %dma_start3A_492 = arith.constant 3 : i32
      %dma_start3A_493 = arith.constant 3 : i32
      %dma_start3A_494 = arith.constant 0 : i32
      %dma_start3A_495 = arith.constant 0 : i32
      %dma_start3A_496 = tpu.memref_slice %arg10[%dma_start3A_491, %dma_start3A_494, %dma_start3A_495] : memref<5x40x144xf32, #tpu.memory_space<vmem>> -> memref<1x40x144xf32, #tpu.memory_space<vmem>>
      %dma_start3A_497 = tpu.memref_squeeze %dma_start3A_496 : memref<1x40x144xf32, #tpu.memory_space<vmem>> -> memref<40x144xf32, #tpu.memory_space<vmem>>
      %dma_start3A_498 = arith.constant 0 : i32
      %dma_start3A_499 = tpu.memref_slice %arg9[%dma_start3A_492, %dma_start3A_498] : memref<5x40xi32, #tpu.memory_space<vmem>> -> memref<1x40xi32, #tpu.memory_space<vmem>>
      %dma_start3A_500 = tpu.memref_squeeze %dma_start3A_499 : memref<1x40xi32, #tpu.memory_space<vmem>> -> memref<40xi32, #tpu.memory_space<vmem>>
      %dma_start3A_501 = arith.constant 0 : i32
      %dma_start3A_502 = arith.constant 0 : i32
      %dma_start3A_503 = tpu.memref_slice %arg11[%dma_start3A_501, %dma_start3A_502] : memref<10240x144xf32, #tpu.memory_space<vmem_shared>> -> memref<10240x144xf32, #tpu.memory_space<vmem_shared>>
      %dma_start3A_504 = tpu.memref_slice %arg14[%dma_start3A_493] : memref<5x!tpu.dma_semaphore, #tpu.memory_space<semaphore_mem>> -> memref<1x!tpu.dma_semaphore, #tpu.memory_space<semaphore_mem>>
      %dma_start3A_505 = tpu.memref_squeeze %dma_start3A_504 : memref<1x!tpu.dma_semaphore, #tpu.memory_space<semaphore_mem>> -> memref<!tpu.dma_semaphore, #tpu.memory_space<semaphore_mem>>
      tpu.enqueue_indirect_dma source(%dma_start3A_497 : memref<40x144xf32, #tpu.memory_space<vmem>>) target(%dma_start3A_503 : memref<10240x144xf32, #tpu.memory_space<vmem_shared>>) offsets(%dma_start3A_500 : memref<40xi32, #tpu.memory_space<vmem>>) semaphore(%dma_start3A_505 : memref<!tpu.dma_semaphore, #tpu.memory_space<semaphore_mem>>) {add = true}
      %dma_wait3A_506 = arith.constant 4 : i32
      %dma_wait3A_507 = arith.constant 4 : i32
      %dma_wait3A_508 = arith.constant 4 : i32
      %dma_wait3A_509 = arith.constant 0 : i32
      %dma_wait3A_510 = arith.constant 0 : i32
      %dma_wait3A_511 = tpu.memref_slice %arg10[%dma_wait3A_507, %dma_wait3A_509, %dma_wait3A_510] : memref<5x40x144xf32, #tpu.memory_space<vmem>> -> memref<1x40x144xf32, #tpu.memory_space<vmem>>
      %dma_wait3A_512 = tpu.memref_squeeze %dma_wait3A_511 : memref<1x40x144xf32, #tpu.memory_space<vmem>> -> memref<40x144xf32, #tpu.memory_space<vmem>>
      %dma_wait3A_513 = arith.constant 0 : i32
      %dma_wait3A_514 = tpu.memref_slice %arg8[%dma_wait3A_506, %dma_wait3A_513] : memref<5x40xi32, #tpu.memory_space<vmem>> -> memref<1x40xi32, #tpu.memory_space<vmem>>
      %dma_wait3A_515 = tpu.memref_squeeze %dma_wait3A_514 : memref<1x40xi32, #tpu.memory_space<vmem>> -> memref<40xi32, #tpu.memory_space<vmem>>
      %dma_wait3A_516 = arith.constant 0 : i32
      %dma_wait3A_517 = arith.constant 0 : i32
      %dma_wait3A_518 = tpu.memref_slice %arg2[%dma_wait3A_516, %dma_wait3A_517] : memref<10240x144xf32, #tpu.memory_space<hbm>> -> memref<10240x144xf32, #tpu.memory_space<hbm>>
      %dma_wait3A_519 = tpu.memref_slice %arg13[%dma_wait3A_508] : memref<5x!tpu.dma_semaphore, #tpu.memory_space<semaphore_mem>> -> memref<1x!tpu.dma_semaphore, #tpu.memory_space<semaphore_mem>>
      %dma_wait3A_520 = tpu.memref_squeeze %dma_wait3A_519 : memref<1x!tpu.dma_semaphore, #tpu.memory_space<semaphore_mem>> -> memref<!tpu.dma_semaphore, #tpu.memory_space<semaphore_mem>>
      tpu.wait_indirect_dma semaphore(%dma_wait3A_520 : memref<!tpu.dma_semaphore, #tpu.memory_space<semaphore_mem>>) src(%dma_wait3A_518 : memref<10240x144xf32, #tpu.memory_space<hbm>>) dst(%dma_wait3A_512 : memref<40x144xf32, #tpu.memory_space<vmem>>)
      %dma_start3A_521 = arith.constant 4 : i32
      %dma_start3A_522 = arith.constant 4 : i32
      %dma_start3A_523 = arith.constant 4 : i32
      %dma_start3A_524 = arith.constant 0 : i32
      %dma_start3A_525 = arith.constant 0 : i32
      %dma_start3A_526 = tpu.memref_slice %arg10[%dma_start3A_521, %dma_start3A_524, %dma_start3A_525] : memref<5x40x144xf32, #tpu.memory_space<vmem>> -> memref<1x40x144xf32, #tpu.memory_space<vmem>>
      %dma_start3A_527 = tpu.memref_squeeze %dma_start3A_526 : memref<1x40x144xf32, #tpu.memory_space<vmem>> -> memref<40x144xf32, #tpu.memory_space<vmem>>
      %dma_start3A_528 = arith.constant 0 : i32
      %dma_start3A_529 = tpu.memref_slice %arg9[%dma_start3A_522, %dma_start3A_528] : memref<5x40xi32, #tpu.memory_space<vmem>> -> memref<1x40xi32, #tpu.memory_space<vmem>>
      %dma_start3A_530 = tpu.memref_squeeze %dma_start3A_529 : memref<1x40xi32, #tpu.memory_space<vmem>> -> memref<40xi32, #tpu.memory_space<vmem>>
      %dma_start3A_531 = arith.constant 0 : i32
      %dma_start3A_532 = arith.constant 0 : i32
      %dma_start3A_533 = tpu.memref_slice %arg11[%dma_start3A_531, %dma_start3A_532] : memref<10240x144xf32, #tpu.memory_space<vmem_shared>> -> memref<10240x144xf32, #tpu.memory_space<vmem_shared>>
      %dma_start3A_534 = tpu.memref_slice %arg14[%dma_start3A_523] : memref<5x!tpu.dma_semaphore, #tpu.memory_space<semaphore_mem>> -> memref<1x!tpu.dma_semaphore, #tpu.memory_space<semaphore_mem>>
      %dma_start3A_535 = tpu.memref_squeeze %dma_start3A_534 : memref<1x!tpu.dma_semaphore, #tpu.memory_space<semaphore_mem>> -> memref<!tpu.dma_semaphore, #tpu.memory_space<semaphore_mem>>
      tpu.enqueue_indirect_dma source(%dma_start3A_527 : memref<40x144xf32, #tpu.memory_space<vmem>>) target(%dma_start3A_533 : memref<10240x144xf32, #tpu.memory_space<vmem_shared>>) offsets(%dma_start3A_530 : memref<40xi32, #tpu.memory_space<vmem>>) semaphore(%dma_start3A_535 : memref<!tpu.dma_semaphore, #tpu.memory_space<semaphore_mem>>) {add = true}
      %dma_wait3A_536 = arith.constant 0 : i32
      %dma_wait3A_537 = arith.constant 0 : i32
      %dma_wait3A_538 = arith.constant 0 : i32
      %dma_wait3A_539 = arith.constant 0 : i32
      %dma_wait3A_540 = arith.constant 0 : i32
      %dma_wait3A_541 = tpu.memref_slice %arg10[%dma_wait3A_536, %dma_wait3A_539, %dma_wait3A_540] : memref<5x40x144xf32, #tpu.memory_space<vmem>> -> memref<1x40x144xf32, #tpu.memory_space<vmem>>
      %dma_wait3A_542 = tpu.memref_squeeze %dma_wait3A_541 : memref<1x40x144xf32, #tpu.memory_space<vmem>> -> memref<40x144xf32, #tpu.memory_space<vmem>>
      %dma_wait3A_543 = arith.constant 0 : i32
      %dma_wait3A_544 = tpu.memref_slice %arg9[%dma_wait3A_537, %dma_wait3A_543] : memref<5x40xi32, #tpu.memory_space<vmem>> -> memref<1x40xi32, #tpu.memory_space<vmem>>
      %dma_wait3A_545 = tpu.memref_squeeze %dma_wait3A_544 : memref<1x40xi32, #tpu.memory_space<vmem>> -> memref<40xi32, #tpu.memory_space<vmem>>
      %dma_wait3A_546 = arith.constant 0 : i32
      %dma_wait3A_547 = arith.constant 0 : i32
      %dma_wait3A_548 = tpu.memref_slice %arg11[%dma_wait3A_546, %dma_wait3A_547] : memref<10240x144xf32, #tpu.memory_space<vmem_shared>> -> memref<10240x144xf32, #tpu.memory_space<vmem_shared>>
      %dma_wait3A_549 = tpu.memref_slice %arg14[%dma_wait3A_538] : memref<5x!tpu.dma_semaphore, #tpu.memory_space<semaphore_mem>> -> memref<1x!tpu.dma_semaphore, #tpu.memory_space<semaphore_mem>>
      %dma_wait3A_550 = tpu.memref_squeeze %dma_wait3A_549 : memref<1x!tpu.dma_semaphore, #tpu.memory_space<semaphore_mem>> -> memref<!tpu.dma_semaphore, #tpu.memory_space<semaphore_mem>>
      tpu.wait_indirect_dma semaphore(%dma_wait3A_550 : memref<!tpu.dma_semaphore, #tpu.memory_space<semaphore_mem>>) src(%dma_wait3A_542 : memref<40x144xf32, #tpu.memory_space<vmem>>) dst(%dma_wait3A_548 : memref<10240x144xf32, #tpu.memory_space<vmem_shared>>)
      %lt3A = arith.constant 49 : i32
      %lt3A_551 = arith.cmpi slt, %scan3A_156, %lt3A : i32
      %convert_element_type3A_552 = arith.extui %lt3A_551 : i1 to i32
      %cond3A_553 = arith.constant 0 : i32
      %cond3A_554 = arith.cmpi ne, %convert_element_type3A_552, %cond3A_553 : i32
      scf.if %cond3A_554 {
        %add3A_635 = arith.constant 1 : i32
        %add3A_636 = arith.addi %scan3A_156, %add3A_635 : i32
        %mul3A_637 = arith.constant 5 : i32
        %mul3A_638 = arith.muli %add3A_636, %mul3A_637 : i32
        %add3A_639 = arith.constant 0 : i32
        %add3A_640 = arith.addi %mul3A_638, %add3A_639 : i32
        %mul3A_641 = arith.constant 40 : i32
        %mul3A_642 = arith.muli %add3A_640, %mul3A_641 : i32
        %add3A_643 = arith.addi %mul3A_10, %mul3A_642 : i32
        %dma_start3A_644 = arith.constant 0 : i32
        %dma_start3A_645 = arith.constant 0 : i32
        %dma_start3A_646 = arith.constant 0 : i32
        %dma_start3A_647 = tpu.memref_slice %arg8[%dma_start3A_644, %dma_start3A_646] : memref<5x40xi32, #tpu.memory_space<vmem>> -> memref<1x40xi32, #tpu.memory_space<vmem>>
        %dma_start3A_648 = tpu.memref_squeeze %dma_start3A_647 : memref<1x40xi32, #tpu.memory_space<vmem>> -> memref<40xi32, #tpu.memory_space<vmem>>
        %dma_start3A_649 = tpu.memref_slice %arg3[%add3A_643] : memref<320000xi32, #tpu.memory_space<hbm>> -> memref<40xi32, #tpu.memory_space<hbm>>
        %dma_start3A_650 = tpu.memref_slice %arg12[%dma_start3A_645] : memref<5x!tpu.dma_semaphore, #tpu.memory_space<semaphore_mem>> -> memref<1x!tpu.dma_semaphore, #tpu.memory_space<semaphore_mem>>
        %dma_start3A_651 = tpu.memref_squeeze %dma_start3A_650 : memref<1x!tpu.dma_semaphore, #tpu.memory_space<semaphore_mem>> -> memref<!tpu.dma_semaphore, #tpu.memory_space<semaphore_mem>>
        %dma_start3A_652 = arith.constant 0 : i32
        %dma_start3A_653 = tpu.memref_slice %arg8[%dma_start3A_644, %dma_start3A_652] : memref<5x40xi32, #tpu.memory_space<vmem>> -> memref<1x40xi32, #tpu.memory_space<vmem>>
        %dma_start3A_654 = tpu.memref_squeeze %dma_start3A_653 : memref<1x40xi32, #tpu.memory_space<vmem>> -> memref<40xi32, #tpu.memory_space<vmem>>
        %dma_start3A_655 = tpu.memref_slice %arg3[%add3A_643] : memref<320000xi32, #tpu.memory_space<hbm>> -> memref<40xi32, #tpu.memory_space<hbm>>
        tpu.enqueue_dma source(%dma_start3A_655 : memref<40xi32, #tpu.memory_space<hbm>>) target(%dma_start3A_654 : memref<40xi32, #tpu.memory_space<vmem>>) target_semaphore(%dma_start3A_651 : memref<!tpu.dma_semaphore, #tpu.memory_space<semaphore_mem>>)
        %dma_start3A_656 = arith.constant 0 : i32
        %dma_start3A_657 = arith.constant 0 : i32
        %dma_start3A_658 = arith.constant 0 : i32
        %dma_start3A_659 = tpu.memref_slice %arg9[%dma_start3A_656, %dma_start3A_658] : memref<5x40xi32, #tpu.memory_space<vmem>> -> memref<1x40xi32, #tpu.memory_space<vmem>>
        %dma_start3A_660 = tpu.memref_squeeze %dma_start3A_659 : memref<1x40xi32, #tpu.memory_space<vmem>> -> memref<40xi32, #tpu.memory_space<vmem>>
        %dma_start3A_661 = tpu.memref_slice %arg4[%add3A_643] : memref<320000xi32, #tpu.memory_space<hbm>> -> memref<40xi32, #tpu.memory_space<hbm>>
        %dma_start3A_662 = tpu.memref_slice %arg12[%dma_start3A_657] : memref<5x!tpu.dma_semaphore, #tpu.memory_space<semaphore_mem>> -> memref<1x!tpu.dma_semaphore, #tpu.memory_space<semaphore_mem>>
        %dma_start3A_663 = tpu.memref_squeeze %dma_start3A_662 : memref<1x!tpu.dma_semaphore, #tpu.memory_space<semaphore_mem>> -> memref<!tpu.dma_semaphore, #tpu.memory_space<semaphore_mem>>
        %dma_start3A_664 = arith.constant 0 : i32
        %dma_start3A_665 = tpu.memref_slice %arg9[%dma_start3A_656, %dma_start3A_664] : memref<5x40xi32, #tpu.memory_space<vmem>> -> memref<1x40xi32, #tpu.memory_space<vmem>>
        %dma_start3A_666 = tpu.memref_squeeze %dma_start3A_665 : memref<1x40xi32, #tpu.memory_space<vmem>> -> memref<40xi32, #tpu.memory_space<vmem>>
        %dma_start3A_667 = tpu.memref_slice %arg4[%add3A_643] : memref<320000xi32, #tpu.memory_space<hbm>> -> memref<40xi32, #tpu.memory_space<hbm>>
        tpu.enqueue_dma source(%dma_start3A_667 : memref<40xi32, #tpu.memory_space<hbm>>) target(%dma_start3A_666 : memref<40xi32, #tpu.memory_space<vmem>>) target_semaphore(%dma_start3A_663 : memref<!tpu.dma_semaphore, #tpu.memory_space<semaphore_mem>>)
      } else {
      }
      %dma_wait3A_555 = arith.constant 1 : i32
      %dma_wait3A_556 = arith.constant 1 : i32
      %dma_wait3A_557 = arith.constant 1 : i32
      %dma_wait3A_558 = arith.constant 0 : i32
      %dma_wait3A_559 = arith.constant 0 : i32
      %dma_wait3A_560 = tpu.memref_slice %arg10[%dma_wait3A_555, %dma_wait3A_558, %dma_wait3A_559] : memref<5x40x144xf32, #tpu.memory_space<vmem>> -> memref<1x40x144xf32, #tpu.memory_space<vmem>>
      %dma_wait3A_561 = tpu.memref_squeeze %dma_wait3A_560 : memref<1x40x144xf32, #tpu.memory_space<vmem>> -> memref<40x144xf32, #tpu.memory_space<vmem>>
      %dma_wait3A_562 = arith.constant 0 : i32
      %dma_wait3A_563 = tpu.memref_slice %arg9[%dma_wait3A_556, %dma_wait3A_562] : memref<5x40xi32, #tpu.memory_space<vmem>> -> memref<1x40xi32, #tpu.memory_space<vmem>>
      %dma_wait3A_564 = tpu.memref_squeeze %dma_wait3A_563 : memref<1x40xi32, #tpu.memory_space<vmem>> -> memref<40xi32, #tpu.memory_space<vmem>>
      %dma_wait3A_565 = arith.constant 0 : i32
      %dma_wait3A_566 = arith.constant 0 : i32
      %dma_wait3A_567 = tpu.memref_slice %arg11[%dma_wait3A_565, %dma_wait3A_566] : memref<10240x144xf32, #tpu.memory_space<vmem_shared>> -> memref<10240x144xf32, #tpu.memory_space<vmem_shared>>
      %dma_wait3A_568 = tpu.memref_slice %arg14[%dma_wait3A_557] : memref<5x!tpu.dma_semaphore, #tpu.memory_space<semaphore_mem>> -> memref<1x!tpu.dma_semaphore, #tpu.memory_space<semaphore_mem>>
      %dma_wait3A_569 = tpu.memref_squeeze %dma_wait3A_568 : memref<1x!tpu.dma_semaphore, #tpu.memory_space<semaphore_mem>> -> memref<!tpu.dma_semaphore, #tpu.memory_space<semaphore_mem>>
      tpu.wait_indirect_dma semaphore(%dma_wait3A_569 : memref<!tpu.dma_semaphore, #tpu.memory_space<semaphore_mem>>) src(%dma_wait3A_561 : memref<40x144xf32, #tpu.memory_space<vmem>>) dst(%dma_wait3A_567 : memref<10240x144xf32, #tpu.memory_space<vmem_shared>>)
      %lt3A_570 = arith.constant 49 : i32
      %lt3A_571 = arith.cmpi slt, %scan3A_156, %lt3A_570 : i32
      %convert_element_type3A_572 = arith.extui %lt3A_571 : i1 to i32
      %cond3A_573 = arith.constant 0 : i32
      %cond3A_574 = arith.cmpi ne, %convert_element_type3A_572, %cond3A_573 : i32
      scf.if %cond3A_574 {
        %add3A_635 = arith.constant 1 : i32
        %add3A_636 = arith.addi %scan3A_156, %add3A_635 : i32
        %mul3A_637 = arith.constant 5 : i32
        %mul3A_638 = arith.muli %add3A_636, %mul3A_637 : i32
        %add3A_639 = arith.constant 1 : i32
        %add3A_640 = arith.addi %mul3A_638, %add3A_639 : i32
        %mul3A_641 = arith.constant 40 : i32
        %mul3A_642 = arith.muli %add3A_640, %mul3A_641 : i32
        %add3A_643 = arith.addi %mul3A_10, %mul3A_642 : i32
        %dma_start3A_644 = arith.constant 1 : i32
        %dma_start3A_645 = arith.constant 1 : i32
        %dma_start3A_646 = arith.constant 0 : i32
        %dma_start3A_647 = tpu.memref_slice %arg8[%dma_start3A_644, %dma_start3A_646] : memref<5x40xi32, #tpu.memory_space<vmem>> -> memref<1x40xi32, #tpu.memory_space<vmem>>
        %dma_start3A_648 = tpu.memref_squeeze %dma_start3A_647 : memref<1x40xi32, #tpu.memory_space<vmem>> -> memref<40xi32, #tpu.memory_space<vmem>>
        %dma_start3A_649 = tpu.memref_slice %arg3[%add3A_643] : memref<320000xi32, #tpu.memory_space<hbm>> -> memref<40xi32, #tpu.memory_space<hbm>>
        %dma_start3A_650 = tpu.memref_slice %arg12[%dma_start3A_645] : memref<5x!tpu.dma_semaphore, #tpu.memory_space<semaphore_mem>> -> memref<1x!tpu.dma_semaphore, #tpu.memory_space<semaphore_mem>>
        %dma_start3A_651 = tpu.memref_squeeze %dma_start3A_650 : memref<1x!tpu.dma_semaphore, #tpu.memory_space<semaphore_mem>> -> memref<!tpu.dma_semaphore, #tpu.memory_space<semaphore_mem>>
        %dma_start3A_652 = arith.constant 0 : i32
        %dma_start3A_653 = tpu.memref_slice %arg8[%dma_start3A_644, %dma_start3A_652] : memref<5x40xi32, #tpu.memory_space<vmem>> -> memref<1x40xi32, #tpu.memory_space<vmem>>
        %dma_start3A_654 = tpu.memref_squeeze %dma_start3A_653 : memref<1x40xi32, #tpu.memory_space<vmem>> -> memref<40xi32, #tpu.memory_space<vmem>>
        %dma_start3A_655 = tpu.memref_slice %arg3[%add3A_643] : memref<320000xi32, #tpu.memory_space<hbm>> -> memref<40xi32, #tpu.memory_space<hbm>>
        tpu.enqueue_dma source(%dma_start3A_655 : memref<40xi32, #tpu.memory_space<hbm>>) target(%dma_start3A_654 : memref<40xi32, #tpu.memory_space<vmem>>) target_semaphore(%dma_start3A_651 : memref<!tpu.dma_semaphore, #tpu.memory_space<semaphore_mem>>)
        %dma_start3A_656 = arith.constant 1 : i32
        %dma_start3A_657 = arith.constant 1 : i32
        %dma_start3A_658 = arith.constant 0 : i32
        %dma_start3A_659 = tpu.memref_slice %arg9[%dma_start3A_656, %dma_start3A_658] : memref<5x40xi32, #tpu.memory_space<vmem>> -> memref<1x40xi32, #tpu.memory_space<vmem>>
        %dma_start3A_660 = tpu.memref_squeeze %dma_start3A_659 : memref<1x40xi32, #tpu.memory_space<vmem>> -> memref<40xi32, #tpu.memory_space<vmem>>
        %dma_start3A_661 = tpu.memref_slice %arg4[%add3A_643] : memref<320000xi32, #tpu.memory_space<hbm>> -> memref<40xi32, #tpu.memory_space<hbm>>
        %dma_start3A_662 = tpu.memref_slice %arg12[%dma_start3A_657] : memref<5x!tpu.dma_semaphore, #tpu.memory_space<semaphore_mem>> -> memref<1x!tpu.dma_semaphore, #tpu.memory_space<semaphore_mem>>
        %dma_start3A_663 = tpu.memref_squeeze %dma_start3A_662 : memref<1x!tpu.dma_semaphore, #tpu.memory_space<semaphore_mem>> -> memref<!tpu.dma_semaphore, #tpu.memory_space<semaphore_mem>>
        %dma_start3A_664 = arith.constant 0 : i32
        %dma_start3A_665 = tpu.memref_slice %arg9[%dma_start3A_656, %dma_start3A_664] : memref<5x40xi32, #tpu.memory_space<vmem>> -> memref<1x40xi32, #tpu.memory_space<vmem>>
        %dma_start3A_666 = tpu.memref_squeeze %dma_start3A_665 : memref<1x40xi32, #tpu.memory_space<vmem>> -> memref<40xi32, #tpu.memory_space<vmem>>
        %dma_start3A_667 = tpu.memref_slice %arg4[%add3A_643] : memref<320000xi32, #tpu.memory_space<hbm>> -> memref<40xi32, #tpu.memory_space<hbm>>
        tpu.enqueue_dma source(%dma_start3A_667 : memref<40xi32, #tpu.memory_space<hbm>>) target(%dma_start3A_666 : memref<40xi32, #tpu.memory_space<vmem>>) target_semaphore(%dma_start3A_663 : memref<!tpu.dma_semaphore, #tpu.memory_space<semaphore_mem>>)
      } else {
      }
      %dma_wait3A_575 = arith.constant 2 : i32
      %dma_wait3A_576 = arith.constant 2 : i32
      %dma_wait3A_577 = arith.constant 2 : i32
      %dma_wait3A_578 = arith.constant 0 : i32
      %dma_wait3A_579 = arith.constant 0 : i32
      %dma_wait3A_580 = tpu.memref_slice %arg10[%dma_wait3A_575, %dma_wait3A_578, %dma_wait3A_579] : memref<5x40x144xf32, #tpu.memory_space<vmem>> -> memref<1x40x144xf32, #tpu.memory_space<vmem>>
      %dma_wait3A_581 = tpu.memref_squeeze %dma_wait3A_580 : memref<1x40x144xf32, #tpu.memory_space<vmem>> -> memref<40x144xf32, #tpu.memory_space<vmem>>
      %dma_wait3A_582 = arith.constant 0 : i32
      %dma_wait3A_583 = tpu.memref_slice %arg9[%dma_wait3A_576, %dma_wait3A_582] : memref<5x40xi32, #tpu.memory_space<vmem>> -> memref<1x40xi32, #tpu.memory_space<vmem>>
      %dma_wait3A_584 = tpu.memref_squeeze %dma_wait3A_583 : memref<1x40xi32, #tpu.memory_space<vmem>> -> memref<40xi32, #tpu.memory_space<vmem>>
      %dma_wait3A_585 = arith.constant 0 : i32
      %dma_wait3A_586 = arith.constant 0 : i32
      %dma_wait3A_587 = tpu.memref_slice %arg11[%dma_wait3A_585, %dma_wait3A_586] : memref<10240x144xf32, #tpu.memory_space<vmem_shared>> -> memref<10240x144xf32, #tpu.memory_space<vmem_shared>>
      %dma_wait3A_588 = tpu.memref_slice %arg14[%dma_wait3A_577] : memref<5x!tpu.dma_semaphore, #tpu.memory_space<semaphore_mem>> -> memref<1x!tpu.dma_semaphore, #tpu.memory_space<semaphore_mem>>
      %dma_wait3A_589 = tpu.memref_squeeze %dma_wait3A_588 : memref<1x!tpu.dma_semaphore, #tpu.memory_space<semaphore_mem>> -> memref<!tpu.dma_semaphore, #tpu.memory_space<semaphore_mem>>
      tpu.wait_indirect_dma semaphore(%dma_wait3A_589 : memref<!tpu.dma_semaphore, #tpu.memory_space<semaphore_mem>>) src(%dma_wait3A_581 : memref<40x144xf32, #tpu.memory_space<vmem>>) dst(%dma_wait3A_587 : memref<10240x144xf32, #tpu.memory_space<vmem_shared>>)
      %lt3A_590 = arith.constant 49 : i32
      %lt3A_591 = arith.cmpi slt, %scan3A_156, %lt3A_590 : i32
      %convert_element_type3A_592 = arith.extui %lt3A_591 : i1 to i32
      %cond3A_593 = arith.constant 0 : i32
      %cond3A_594 = arith.cmpi ne, %convert_element_type3A_592, %cond3A_593 : i32
      scf.if %cond3A_594 {
        %add3A_635 = arith.constant 1 : i32
        %add3A_636 = arith.addi %scan3A_156, %add3A_635 : i32
        %mul3A_637 = arith.constant 5 : i32
        %mul3A_638 = arith.muli %add3A_636, %mul3A_637 : i32
        %add3A_639 = arith.constant 2 : i32
        %add3A_640 = arith.addi %mul3A_638, %add3A_639 : i32
        %mul3A_641 = arith.constant 40 : i32
        %mul3A_642 = arith.muli %add3A_640, %mul3A_641 : i32
        %add3A_643 = arith.addi %mul3A_10, %mul3A_642 : i32
        %dma_start3A_644 = arith.constant 2 : i32
        %dma_start3A_645 = arith.constant 2 : i32
        %dma_start3A_646 = arith.constant 0 : i32
        %dma_start3A_647 = tpu.memref_slice %arg8[%dma_start3A_644, %dma_start3A_646] : memref<5x40xi32, #tpu.memory_space<vmem>> -> memref<1x40xi32, #tpu.memory_space<vmem>>
        %dma_start3A_648 = tpu.memref_squeeze %dma_start3A_647 : memref<1x40xi32, #tpu.memory_space<vmem>> -> memref<40xi32, #tpu.memory_space<vmem>>
        %dma_start3A_649 = tpu.memref_slice %arg3[%add3A_643] : memref<320000xi32, #tpu.memory_space<hbm>> -> memref<40xi32, #tpu.memory_space<hbm>>
        %dma_start3A_650 = tpu.memref_slice %arg12[%dma_start3A_645] : memref<5x!tpu.dma_semaphore, #tpu.memory_space<semaphore_mem>> -> memref<1x!tpu.dma_semaphore, #tpu.memory_space<semaphore_mem>>
        %dma_start3A_651 = tpu.memref_squeeze %dma_start3A_650 : memref<1x!tpu.dma_semaphore, #tpu.memory_space<semaphore_mem>> -> memref<!tpu.dma_semaphore, #tpu.memory_space<semaphore_mem>>
        %dma_start3A_652 = arith.constant 0 : i32
        %dma_start3A_653 = tpu.memref_slice %arg8[%dma_start3A_644, %dma_start3A_652] : memref<5x40xi32, #tpu.memory_space<vmem>> -> memref<1x40xi32, #tpu.memory_space<vmem>>
        %dma_start3A_654 = tpu.memref_squeeze %dma_start3A_653 : memref<1x40xi32, #tpu.memory_space<vmem>> -> memref<40xi32, #tpu.memory_space<vmem>>
        %dma_start3A_655 = tpu.memref_slice %arg3[%add3A_643] : memref<320000xi32, #tpu.memory_space<hbm>> -> memref<40xi32, #tpu.memory_space<hbm>>
        tpu.enqueue_dma source(%dma_start3A_655 : memref<40xi32, #tpu.memory_space<hbm>>) target(%dma_start3A_654 : memref<40xi32, #tpu.memory_space<vmem>>) target_semaphore(%dma_start3A_651 : memref<!tpu.dma_semaphore, #tpu.memory_space<semaphore_mem>>)
        %dma_start3A_656 = arith.constant 2 : i32
        %dma_start3A_657 = arith.constant 2 : i32
        %dma_start3A_658 = arith.constant 0 : i32
        %dma_start3A_659 = tpu.memref_slice %arg9[%dma_start3A_656, %dma_start3A_658] : memref<5x40xi32, #tpu.memory_space<vmem>> -> memref<1x40xi32, #tpu.memory_space<vmem>>
        %dma_start3A_660 = tpu.memref_squeeze %dma_start3A_659 : memref<1x40xi32, #tpu.memory_space<vmem>> -> memref<40xi32, #tpu.memory_space<vmem>>
        %dma_start3A_661 = tpu.memref_slice %arg4[%add3A_643] : memref<320000xi32, #tpu.memory_space<hbm>> -> memref<40xi32, #tpu.memory_space<hbm>>
        %dma_start3A_662 = tpu.memref_slice %arg12[%dma_start3A_657] : memref<5x!tpu.dma_semaphore, #tpu.memory_space<semaphore_mem>> -> memref<1x!tpu.dma_semaphore, #tpu.memory_space<semaphore_mem>>
        %dma_start3A_663 = tpu.memref_squeeze %dma_start3A_662 : memref<1x!tpu.dma_semaphore, #tpu.memory_space<semaphore_mem>> -> memref<!tpu.dma_semaphore, #tpu.memory_space<semaphore_mem>>
        %dma_start3A_664 = arith.constant 0 : i32
        %dma_start3A_665 = tpu.memref_slice %arg9[%dma_start3A_656, %dma_start3A_664] : memref<5x40xi32, #tpu.memory_space<vmem>> -> memref<1x40xi32, #tpu.memory_space<vmem>>
        %dma_start3A_666 = tpu.memref_squeeze %dma_start3A_665 : memref<1x40xi32, #tpu.memory_space<vmem>> -> memref<40xi32, #tpu.memory_space<vmem>>
        %dma_start3A_667 = tpu.memref_slice %arg4[%add3A_643] : memref<320000xi32, #tpu.memory_space<hbm>> -> memref<40xi32, #tpu.memory_space<hbm>>
        tpu.enqueue_dma source(%dma_start3A_667 : memref<40xi32, #tpu.memory_space<hbm>>) target(%dma_start3A_666 : memref<40xi32, #tpu.memory_space<vmem>>) target_semaphore(%dma_start3A_663 : memref<!tpu.dma_semaphore, #tpu.memory_space<semaphore_mem>>)
      } else {
      }
      %dma_wait3A_595 = arith.constant 3 : i32
      %dma_wait3A_596 = arith.constant 3 : i32
      %dma_wait3A_597 = arith.constant 3 : i32
      %dma_wait3A_598 = arith.constant 0 : i32
      %dma_wait3A_599 = arith.constant 0 : i32
      %dma_wait3A_600 = tpu.memref_slice %arg10[%dma_wait3A_595, %dma_wait3A_598, %dma_wait3A_599] : memref<5x40x144xf32, #tpu.memory_space<vmem>> -> memref<1x40x144xf32, #tpu.memory_space<vmem>>
      %dma_wait3A_601 = tpu.memref_squeeze %dma_wait3A_600 : memref<1x40x144xf32, #tpu.memory_space<vmem>> -> memref<40x144xf32, #tpu.memory_space<vmem>>
      %dma_wait3A_602 = arith.constant 0 : i32
      %dma_wait3A_603 = tpu.memref_slice %arg9[%dma_wait3A_596, %dma_wait3A_602] : memref<5x40xi32, #tpu.memory_space<vmem>> -> memref<1x40xi32, #tpu.memory_space<vmem>>
      %dma_wait3A_604 = tpu.memref_squeeze %dma_wait3A_603 : memref<1x40xi32, #tpu.memory_space<vmem>> -> memref<40xi32, #tpu.memory_space<vmem>>
      %dma_wait3A_605 = arith.constant 0 : i32
      %dma_wait3A_606 = arith.constant 0 : i32
      %dma_wait3A_607 = tpu.memref_slice %arg11[%dma_wait3A_605, %dma_wait3A_606] : memref<10240x144xf32, #tpu.memory_space<vmem_shared>> -> memref<10240x144xf32, #tpu.memory_space<vmem_shared>>
      %dma_wait3A_608 = tpu.memref_slice %arg14[%dma_wait3A_597] : memref<5x!tpu.dma_semaphore, #tpu.memory_space<semaphore_mem>> -> memref<1x!tpu.dma_semaphore, #tpu.memory_space<semaphore_mem>>
      %dma_wait3A_609 = tpu.memref_squeeze %dma_wait3A_608 : memref<1x!tpu.dma_semaphore, #tpu.memory_space<semaphore_mem>> -> memref<!tpu.dma_semaphore, #tpu.memory_space<semaphore_mem>>
      tpu.wait_indirect_dma semaphore(%dma_wait3A_609 : memref<!tpu.dma_semaphore, #tpu.memory_space<semaphore_mem>>) src(%dma_wait3A_601 : memref<40x144xf32, #tpu.memory_space<vmem>>) dst(%dma_wait3A_607 : memref<10240x144xf32, #tpu.memory_space<vmem_shared>>)
      %lt3A_610 = arith.constant 49 : i32
      %lt3A_611 = arith.cmpi slt, %scan3A_156, %lt3A_610 : i32
      %convert_element_type3A_612 = arith.extui %lt3A_611 : i1 to i32
      %cond3A_613 = arith.constant 0 : i32
      %cond3A_614 = arith.cmpi ne, %convert_element_type3A_612, %cond3A_613 : i32
      scf.if %cond3A_614 {
        %add3A_635 = arith.constant 1 : i32
        %add3A_636 = arith.addi %scan3A_156, %add3A_635 : i32
        %mul3A_637 = arith.constant 5 : i32
        %mul3A_638 = arith.muli %add3A_636, %mul3A_637 : i32
        %add3A_639 = arith.constant 3 : i32
        %add3A_640 = arith.addi %mul3A_638, %add3A_639 : i32
        %mul3A_641 = arith.constant 40 : i32
        %mul3A_642 = arith.muli %add3A_640, %mul3A_641 : i32
        %add3A_643 = arith.addi %mul3A_10, %mul3A_642 : i32
        %dma_start3A_644 = arith.constant 3 : i32
        %dma_start3A_645 = arith.constant 3 : i32
        %dma_start3A_646 = arith.constant 0 : i32
        %dma_start3A_647 = tpu.memref_slice %arg8[%dma_start3A_644, %dma_start3A_646] : memref<5x40xi32, #tpu.memory_space<vmem>> -> memref<1x40xi32, #tpu.memory_space<vmem>>
        %dma_start3A_648 = tpu.memref_squeeze %dma_start3A_647 : memref<1x40xi32, #tpu.memory_space<vmem>> -> memref<40xi32, #tpu.memory_space<vmem>>
        %dma_start3A_649 = tpu.memref_slice %arg3[%add3A_643] : memref<320000xi32, #tpu.memory_space<hbm>> -> memref<40xi32, #tpu.memory_space<hbm>>
        %dma_start3A_650 = tpu.memref_slice %arg12[%dma_start3A_645] : memref<5x!tpu.dma_semaphore, #tpu.memory_space<semaphore_mem>> -> memref<1x!tpu.dma_semaphore, #tpu.memory_space<semaphore_mem>>
        %dma_start3A_651 = tpu.memref_squeeze %dma_start3A_650 : memref<1x!tpu.dma_semaphore, #tpu.memory_space<semaphore_mem>> -> memref<!tpu.dma_semaphore, #tpu.memory_space<semaphore_mem>>
        %dma_start3A_652 = arith.constant 0 : i32
        %dma_start3A_653 = tpu.memref_slice %arg8[%dma_start3A_644, %dma_start3A_652] : memref<5x40xi32, #tpu.memory_space<vmem>> -> memref<1x40xi32, #tpu.memory_space<vmem>>
        %dma_start3A_654 = tpu.memref_squeeze %dma_start3A_653 : memref<1x40xi32, #tpu.memory_space<vmem>> -> memref<40xi32, #tpu.memory_space<vmem>>
        %dma_start3A_655 = tpu.memref_slice %arg3[%add3A_643] : memref<320000xi32, #tpu.memory_space<hbm>> -> memref<40xi32, #tpu.memory_space<hbm>>
        tpu.enqueue_dma source(%dma_start3A_655 : memref<40xi32, #tpu.memory_space<hbm>>) target(%dma_start3A_654 : memref<40xi32, #tpu.memory_space<vmem>>) target_semaphore(%dma_start3A_651 : memref<!tpu.dma_semaphore, #tpu.memory_space<semaphore_mem>>)
        %dma_start3A_656 = arith.constant 3 : i32
        %dma_start3A_657 = arith.constant 3 : i32
        %dma_start3A_658 = arith.constant 0 : i32
        %dma_start3A_659 = tpu.memref_slice %arg9[%dma_start3A_656, %dma_start3A_658] : memref<5x40xi32, #tpu.memory_space<vmem>> -> memref<1x40xi32, #tpu.memory_space<vmem>>
        %dma_start3A_660 = tpu.memref_squeeze %dma_start3A_659 : memref<1x40xi32, #tpu.memory_space<vmem>> -> memref<40xi32, #tpu.memory_space<vmem>>
        %dma_start3A_661 = tpu.memref_slice %arg4[%add3A_643] : memref<320000xi32, #tpu.memory_space<hbm>> -> memref<40xi32, #tpu.memory_space<hbm>>
        %dma_start3A_662 = tpu.memref_slice %arg12[%dma_start3A_657] : memref<5x!tpu.dma_semaphore, #tpu.memory_space<semaphore_mem>> -> memref<1x!tpu.dma_semaphore, #tpu.memory_space<semaphore_mem>>
        %dma_start3A_663 = tpu.memref_squeeze %dma_start3A_662 : memref<1x!tpu.dma_semaphore, #tpu.memory_space<semaphore_mem>> -> memref<!tpu.dma_semaphore, #tpu.memory_space<semaphore_mem>>
        %dma_start3A_664 = arith.constant 0 : i32
        %dma_start3A_665 = tpu.memref_slice %arg9[%dma_start3A_656, %dma_start3A_664] : memref<5x40xi32, #tpu.memory_space<vmem>> -> memref<1x40xi32, #tpu.memory_space<vmem>>
        %dma_start3A_666 = tpu.memref_squeeze %dma_start3A_665 : memref<1x40xi32, #tpu.memory_space<vmem>> -> memref<40xi32, #tpu.memory_space<vmem>>
        %dma_start3A_667 = tpu.memref_slice %arg4[%add3A_643] : memref<320000xi32, #tpu.memory_space<hbm>> -> memref<40xi32, #tpu.memory_space<hbm>>
        tpu.enqueue_dma source(%dma_start3A_667 : memref<40xi32, #tpu.memory_space<hbm>>) target(%dma_start3A_666 : memref<40xi32, #tpu.memory_space<vmem>>) target_semaphore(%dma_start3A_663 : memref<!tpu.dma_semaphore, #tpu.memory_space<semaphore_mem>>)
      } else {
      }
      %dma_wait3A_615 = arith.constant 4 : i32
      %dma_wait3A_616 = arith.constant 4 : i32
      %dma_wait3A_617 = arith.constant 4 : i32
      %dma_wait3A_618 = arith.constant 0 : i32
      %dma_wait3A_619 = arith.constant 0 : i32
      %dma_wait3A_620 = tpu.memref_slice %arg10[%dma_wait3A_615, %dma_wait3A_618, %dma_wait3A_619] : memref<5x40x144xf32, #tpu.memory_space<vmem>> -> memref<1x40x144xf32, #tpu.memory_space<vmem>>
      %dma_wait3A_621 = tpu.memref_squeeze %dma_wait3A_620 : memref<1x40x144xf32, #tpu.memory_space<vmem>> -> memref<40x144xf32, #tpu.memory_space<vmem>>
      %dma_wait3A_622 = arith.constant 0 : i32
      %dma_wait3A_623 = tpu.memref_slice %arg9[%dma_wait3A_616, %dma_wait3A_622] : memref<5x40xi32, #tpu.memory_space<vmem>> -> memref<1x40xi32, #tpu.memory_space<vmem>>
      %dma_wait3A_624 = tpu.memref_squeeze %dma_wait3A_623 : memref<1x40xi32, #tpu.memory_space<vmem>> -> memref<40xi32, #tpu.memory_space<vmem>>
      %dma_wait3A_625 = arith.constant 0 : i32
      %dma_wait3A_626 = arith.constant 0 : i32
      %dma_wait3A_627 = tpu.memref_slice %arg11[%dma_wait3A_625, %dma_wait3A_626] : memref<10240x144xf32, #tpu.memory_space<vmem_shared>> -> memref<10240x144xf32, #tpu.memory_space<vmem_shared>>
      %dma_wait3A_628 = tpu.memref_slice %arg14[%dma_wait3A_617] : memref<5x!tpu.dma_semaphore, #tpu.memory_space<semaphore_mem>> -> memref<1x!tpu.dma_semaphore, #tpu.memory_space<semaphore_mem>>
      %dma_wait3A_629 = tpu.memref_squeeze %dma_wait3A_628 : memref<1x!tpu.dma_semaphore, #tpu.memory_space<semaphore_mem>> -> memref<!tpu.dma_semaphore, #tpu.memory_space<semaphore_mem>>
      tpu.wait_indirect_dma semaphore(%dma_wait3A_629 : memref<!tpu.dma_semaphore, #tpu.memory_space<semaphore_mem>>) src(%dma_wait3A_621 : memref<40x144xf32, #tpu.memory_space<vmem>>) dst(%dma_wait3A_627 : memref<10240x144xf32, #tpu.memory_space<vmem_shared>>)
      %lt3A_630 = arith.constant 49 : i32
      %lt3A_631 = arith.cmpi slt, %scan3A_156, %lt3A_630 : i32
      %convert_element_type3A_632 = arith.extui %lt3A_631 : i1 to i32
      %cond3A_633 = arith.constant 0 : i32
      %cond3A_634 = arith.cmpi ne, %convert_element_type3A_632, %cond3A_633 : i32
      scf.if %cond3A_634 {
        %add3A_635 = arith.constant 1 : i32
        %add3A_636 = arith.addi %scan3A_156, %add3A_635 : i32
        %mul3A_637 = arith.constant 5 : i32
        %mul3A_638 = arith.muli %add3A_636, %mul3A_637 : i32
        %add3A_639 = arith.constant 4 : i32
        %add3A_640 = arith.addi %mul3A_638, %add3A_639 : i32
        %mul3A_641 = arith.constant 40 : i32
        %mul3A_642 = arith.muli %add3A_640, %mul3A_641 : i32
        %add3A_643 = arith.addi %mul3A_10, %mul3A_642 : i32
        %dma_start3A_644 = arith.constant 4 : i32
        %dma_start3A_645 = arith.constant 4 : i32
        %dma_start3A_646 = arith.constant 0 : i32
        %dma_start3A_647 = tpu.memref_slice %arg8[%dma_start3A_644, %dma_start3A_646] : memref<5x40xi32, #tpu.memory_space<vmem>> -> memref<1x40xi32, #tpu.memory_space<vmem>>
        %dma_start3A_648 = tpu.memref_squeeze %dma_start3A_647 : memref<1x40xi32, #tpu.memory_space<vmem>> -> memref<40xi32, #tpu.memory_space<vmem>>
        %dma_start3A_649 = tpu.memref_slice %arg3[%add3A_643] : memref<320000xi32, #tpu.memory_space<hbm>> -> memref<40xi32, #tpu.memory_space<hbm>>
        %dma_start3A_650 = tpu.memref_slice %arg12[%dma_start3A_645] : memref<5x!tpu.dma_semaphore, #tpu.memory_space<semaphore_mem>> -> memref<1x!tpu.dma_semaphore, #tpu.memory_space<semaphore_mem>>
        %dma_start3A_651 = tpu.memref_squeeze %dma_start3A_650 : memref<1x!tpu.dma_semaphore, #tpu.memory_space<semaphore_mem>> -> memref<!tpu.dma_semaphore, #tpu.memory_space<semaphore_mem>>
        %dma_start3A_652 = arith.constant 0 : i32
        %dma_start3A_653 = tpu.memref_slice %arg8[%dma_start3A_644, %dma_start3A_652] : memref<5x40xi32, #tpu.memory_space<vmem>> -> memref<1x40xi32, #tpu.memory_space<vmem>>
        %dma_start3A_654 = tpu.memref_squeeze %dma_start3A_653 : memref<1x40xi32, #tpu.memory_space<vmem>> -> memref<40xi32, #tpu.memory_space<vmem>>
        %dma_start3A_655 = tpu.memref_slice %arg3[%add3A_643] : memref<320000xi32, #tpu.memory_space<hbm>> -> memref<40xi32, #tpu.memory_space<hbm>>
        tpu.enqueue_dma source(%dma_start3A_655 : memref<40xi32, #tpu.memory_space<hbm>>) target(%dma_start3A_654 : memref<40xi32, #tpu.memory_space<vmem>>) target_semaphore(%dma_start3A_651 : memref<!tpu.dma_semaphore, #tpu.memory_space<semaphore_mem>>)
        %dma_start3A_656 = arith.constant 4 : i32
        %dma_start3A_657 = arith.constant 4 : i32
        %dma_start3A_658 = arith.constant 0 : i32
        %dma_start3A_659 = tpu.memref_slice %arg9[%dma_start3A_656, %dma_start3A_658] : memref<5x40xi32, #tpu.memory_space<vmem>> -> memref<1x40xi32, #tpu.memory_space<vmem>>
        %dma_start3A_660 = tpu.memref_squeeze %dma_start3A_659 : memref<1x40xi32, #tpu.memory_space<vmem>> -> memref<40xi32, #tpu.memory_space<vmem>>
        %dma_start3A_661 = tpu.memref_slice %arg4[%add3A_643] : memref<320000xi32, #tpu.memory_space<hbm>> -> memref<40xi32, #tpu.memory_space<hbm>>
        %dma_start3A_662 = tpu.memref_slice %arg12[%dma_start3A_657] : memref<5x!tpu.dma_semaphore, #tpu.memory_space<semaphore_mem>> -> memref<1x!tpu.dma_semaphore, #tpu.memory_space<semaphore_mem>>
        %dma_start3A_663 = tpu.memref_squeeze %dma_start3A_662 : memref<1x!tpu.dma_semaphore, #tpu.memory_space<semaphore_mem>> -> memref<!tpu.dma_semaphore, #tpu.memory_space<semaphore_mem>>
        %dma_start3A_664 = arith.constant 0 : i32
        %dma_start3A_665 = tpu.memref_slice %arg9[%dma_start3A_656, %dma_start3A_664] : memref<5x40xi32, #tpu.memory_space<vmem>> -> memref<1x40xi32, #tpu.memory_space<vmem>>
        %dma_start3A_666 = tpu.memref_squeeze %dma_start3A_665 : memref<1x40xi32, #tpu.memory_space<vmem>> -> memref<40xi32, #tpu.memory_space<vmem>>
        %dma_start3A_667 = tpu.memref_slice %arg4[%add3A_643] : memref<320000xi32, #tpu.memory_space<hbm>> -> memref<40xi32, #tpu.memory_space<hbm>>
        tpu.enqueue_dma source(%dma_start3A_667 : memref<40xi32, #tpu.memory_space<hbm>>) target(%dma_start3A_666 : memref<40xi32, #tpu.memory_space<vmem>>) target_semaphore(%dma_start3A_663 : memref<!tpu.dma_semaphore, #tpu.memory_space<semaphore_mem>>)
      } else {
      }
    }
    %scan3A_144 = arith.constant 50 : i32
    %barrier3A_145 = arith.constant 0 : index
    tpu.barrier barrier_id(%barrier3A_145)
    %eq3A_146 = arith.constant 0 : i32
    %eq3A_147 = arith.cmpi eq, %arg0, %eq3A_146 : i32
    %convert_element_type3A_148 = arith.extui %eq3A_147 : i1 to i32
    %cond3A_149 = arith.constant 0 : i32
    %cond3A_150 = arith.cmpi ne, %convert_element_type3A_148, %cond3A_149 : i32
    scf.if %cond3A_150 {
      "tpu.region"() ({
        %run_scoped3A = tpu.sem_alloc : memref<!tpu.dma_semaphore, #tpu.memory_space<semaphore_mem>>
        %dma_start3A_156 = arith.constant 0 : i32
        %dma_start3A_157 = tpu.memref_slice %arg6[%multiple_of3A, %dma_start3A_156] : memref<10240x144xf32, #tpu.memory_space<hbm>> -> memref<640x144xf32, #tpu.memory_space<hbm>>
        %dma_start3A_158 = arith.constant 0 : i32
        %dma_start3A_159 = tpu.memref_slice %arg11[%multiple_of3A, %dma_start3A_158] : memref<10240x144xf32, #tpu.memory_space<vmem_shared>> -> memref<640x144xf32, #tpu.memory_space<vmem_shared>>
        tpu.enqueue_dma source(%dma_start3A_159 : memref<640x144xf32, #tpu.memory_space<vmem_shared>>) target(%dma_start3A_157 : memref<640x144xf32, #tpu.memory_space<hbm>>) target_semaphore(%run_scoped3A : memref<!tpu.dma_semaphore, #tpu.memory_space<semaphore_mem>>)
        %dma_wait3A = arith.constant 0 : i32
        %dma_wait3A_160 = tpu.memref_slice %arg6[%multiple_of3A, %dma_wait3A] : memref<10240x144xf32, #tpu.memory_space<hbm>> -> memref<640x144xf32, #tpu.memory_space<hbm>>
        %dma_wait3A_161 = arith.constant 0 : i32
        %dma_wait3A_162 = tpu.memref_slice %arg11[%multiple_of3A, %dma_wait3A_161] : memref<10240x144xf32, #tpu.memory_space<vmem_shared>> -> memref<640x144xf32, #tpu.memory_space<vmem_shared>>
        tpu.wait_dma2 semaphore(%run_scoped3A : memref<!tpu.dma_semaphore, #tpu.memory_space<semaphore_mem>>) src(%dma_wait3A_162 : memref<640x144xf32, #tpu.memory_space<vmem_shared>>) dst(%dma_wait3A_160 : memref<640x144xf32, #tpu.memory_space<hbm>>)
        tpu.yield
      }) : () -> ()
    } else {
    }
    %ne3A_151 = arith.constant 0 : i32
    %ne3A_152 = arith.cmpi ne, %arg0, %ne3A_151 : i32
    %convert_element_type3A_153 = arith.extui %ne3A_152 : i1 to i32
    %cond3A_154 = arith.constant 0 : i32
    %cond3A_155 = arith.cmpi ne, %convert_element_type3A_153, %cond3A_154 : i32
    scf.if %cond3A_155 {
      "tpu.region"() ({
        %run_scoped3A = tpu.sem_alloc : memref<!tpu.dma_semaphore, #tpu.memory_space<semaphore_mem>>
        %dma_start3A_156 = arith.constant 0 : i32
        %dma_start3A_157 = tpu.memref_slice %arg7[%multiple_of3A, %dma_start3A_156] : memref<10240x144xf32, #tpu.memory_space<hbm>> -> memref<640x144xf32, #tpu.memory_space<hbm>>
        %dma_start3A_158 = arith.constant 0 : i32
        %dma_start3A_159 = tpu.memref_slice %arg11[%multiple_of3A, %dma_start3A_158] : memref<10240x144xf32, #tpu.memory_space<vmem_shared>> -> memref<640x144xf32, #tpu.memory_space<vmem_shared>>
        tpu.enqueue_dma source(%dma_start3A_159 : memref<640x144xf32, #tpu.memory_space<vmem_shared>>) target(%dma_start3A_157 : memref<640x144xf32, #tpu.memory_space<hbm>>) target_semaphore(%run_scoped3A : memref<!tpu.dma_semaphore, #tpu.memory_space<semaphore_mem>>)
        %dma_wait3A = arith.constant 0 : i32
        %dma_wait3A_160 = tpu.memref_slice %arg7[%multiple_of3A, %dma_wait3A] : memref<10240x144xf32, #tpu.memory_space<hbm>> -> memref<640x144xf32, #tpu.memory_space<hbm>>
        %dma_wait3A_161 = arith.constant 0 : i32
        %dma_wait3A_162 = tpu.memref_slice %arg11[%multiple_of3A, %dma_wait3A_161] : memref<10240x144xf32, #tpu.memory_space<vmem_shared>> -> memref<640x144xf32, #tpu.memory_space<vmem_shared>>
        tpu.wait_dma2 semaphore(%run_scoped3A : memref<!tpu.dma_semaphore, #tpu.memory_space<semaphore_mem>>) src(%dma_wait3A_162 : memref<640x144xf32, #tpu.memory_space<vmem_shared>>) dst(%dma_wait3A_160 : memref<640x144xf32, #tpu.memory_space<hbm>>)
        tpu.yield
      }) : () -> ()
    } else {
    }
    return
  }
}

module attributes {stable_mosaic.version = 14 : i64} {
  func.func @_combine_body(%arg0: i32, %arg1: memref<2000x144xf32, #tpu.memory_space<vmem>>, %arg2: memref<2000x144xf32, #tpu.memory_space<vmem>>, %arg3: memref<2000x129xf32, #tpu.memory_space<vmem>>) attributes {dimension_semantics = [#tpu.dimension_semantics<arbitrary>], iteration_bounds = array<i64: 5>, scalar_prefetch = 0 : i64, scratch_operands = 0 : i64, tpu.core_type = #tpu.core_type<tc>, window_params = [{transform_indices = @transform_0, window_bounds = array<i64: 2000, 144>}, {transform_indices = @transform_1, window_bounds = array<i64: 2000, 144>}, {transform_indices = @transform_2, window_bounds = array<i64: 2000, 129>}]} {
    %get3A = arith.constant 0 : index
    %get3A_0 = arith.constant 0 : index
    %get3A_1 = vector.load %arg1[%get3A, %get3A_0] : memref<2000x144xf32, #tpu.memory_space<vmem>>, vector<2000x144xf32>
    %get3A_2 = arith.constant 0 : index
    %get3A_3 = arith.constant 0 : index
    %get3A_4 = vector.load %arg2[%get3A_2, %get3A_3] : memref<2000x144xf32, #tpu.memory_space<vmem>>, vector<2000x144xf32>
    %add3A = arith.addf %get3A_1, %get3A_4 : vector<2000x144xf32>
    %slice3A = vector.extract_strided_slice %add3A {offsets = [0, 0], sizes = [2000, 129], strides = [1, 1]} : vector<2000x144xf32> to vector<2000x129xf32>
    %swap3A = arith.constant 0 : index
    %swap3A_5 = arith.constant 0 : index
    %swap3A_6 = vector.load %arg3[%swap3A, %swap3A_5] : memref<2000x129xf32, #tpu.memory_space<vmem>>, vector<2000x129xf32>
    tpu.vector_store %arg3[%swap3A, %swap3A_5], %slice3A {strides = array<i32>} : memref<2000x129xf32, #tpu.memory_space<vmem>>, vector<2000x129xf32>,
    return
  }
  func.func @transform_0(%arg0: i32) -> (i32, i32) {
    %c0_i32 = arith.constant 0 : i32
    %c0_i32_0 = arith.constant 0 : i32
    return %arg0, %c0_i32 : i32, i32
  }
  func.func @transform_1(%arg0: i32) -> (i32, i32) {
    %c0_i32 = arith.constant 0 : i32
    %c0_i32_0 = arith.constant 0 : i32
    return %arg0, %c0_i32 : i32, i32
  }
  func.func @transform_2(%arg0: i32) -> (i32, i32) {
    %c0_i32 = arith.constant 0 : i32
    %c0_i32_0 = arith.constant 0 : i32
    return %arg0, %c0_i32 : i32, i32
  }
}

</mosaic_0001>

<sc_bundles>
// kernel: kernel.6.cloned.1.call-start
scs
__scs_entry_jumppad:
0x0: {  	(pc) =	sbr.rel $0x88, $3  }
0x1: {  	(tag) =	ssettag $0x0;
	lr =	simm.s32 $0x1  }
0x2: {  	[smem:$0x3F9F] =	sst lr;
	_ =	strace $0xD0000000  }
0x3: {  	_ = 	snop  }
0x4: {  	_ = 	snop  }
0x5: {  	_ = 	snop  }
0x6: {  	_ = 	snop  }
0x7: {  	_ = 	snop  }
__scs_overlays_trampoline_lowered:
0x8: {  	[smem:$0x3FAE] =	sst s0  }
0x9: {  	[smem:$0x3FAF] =	sst s1  }
0xa: {  	[smem:$0x3FB0] =	sst s2  }
0xb: {  	[smem:$0x3FB1] =	sst s3  }
0xc: {  	[smem:$0x3FB2] =	sst s4  }
0xd: {  	[smem:$0x3FB3] =	sst s5  }
0xe: {  	[smem:$0x3FB4] =	sst s6  }
0xf: {  	[smem:$0x3FB5] =	sst s7  }
0x10: {  	[smem:$0x3FB6] =	sst s8  }
0x11: {  	[smem:$0x3FB7] =	sst s9;
	s0 =	simm.s32 @!p0 $0x0  }
0x12: {  	s1 =	sld [smem:$0x3F9D];
	s0 =	simm.s32 @p0 $0x1  }
0x13: {  	[smem:$0x3FB8] =	sst s0;
	s0 =	simm.s32 @!p1 $0x0  }
0x14: {  	s2 =	sld [smem:$0x3F9C];
	s0 =	simm.s32 @p1 $0x1  }
0x15: {  	[smem:$0x3FB9] =	sst s0;
	s0 =	simm.s32 @!p2 $0x0  }
0x16: {  	s3 =	sld [smem:$0x3FDB];
	s0 =	simm.s32 @p2 $0x1  }
0x17: {  	s4 =	simm.s32 $0x1BF5;
	[smem:$0x3FBB] =	sst s0  }
0x18: {  	s0 =	sld [smem:$0x3F9E];
	_ =	swait.ge [sflag:s4], $0x0  }
0x19: {  	s7 =	sld [smem:$0x3F9F]  }
0x1a: {  	s8 =	sadd.s32 $0xFFFFE003, lr  }
0x1b: {  	s9 =	sadd.s32 $0xFFFFFEF7, lr;
	s5 =	simm.s32 $0xFFFFFFFF;
	p2 =	slt.u32 s8, $0xFFFFF086  }
0x1c: {  	p1 =	slt.u32 s9, $0xF7A;
	s5 =	simm.s32 @!p2 $0x0  }
0x1d: {  	s5 =	simm.s32 @p1 $0x1;
	p0 =	seq.s32 s7, s2  }
0x1e: {  	s7 =	smul.u32 @!p0 $0xF7A, s2;
	p2 =	seq.s32 @!p0 s5, $0x0  }
0x1f: {  	s9 =	smul.u32 $0xF7A, s1;
	s8 =	simm.s32 @!p0 $0x1BF5;
	p2 =	por !p2, p0  }
0x20: {  	[sflag:s8] =	ssyncset.s32 @!p0 $0xFFFFF086;
	s6 =	sadd.s32 @!p0 s3, s7;
	s7 =	simm.s32 @!p0 $0x108  }
0x21: {  	s3 =	sadd.s32 s3, s9;
	s6 =	sadd.s32 @!p0 $0x88, s6;
	s7 =	simm.s32 @p2 $0x1082  }
0x22: {  	[simem:s7], [sflag:s8] =	dma.local @!p0 [hbm:s6], $0xF7A  }
0x23: {  	s9 =	sor.u32 $0xD0000000, s2;
	s6 =	simm.s32 $0x108;
	_ =	swait.ge @!p0 [sflag:s8], $0x0  }
0x24: {  	s3 =	sadd.s32 $0x88, s3;
	s6 =	simm.s32 @!p1 $0x1082;
	[sflag:s4] =	ssyncset.s32 $0xFFFFF086  }
0x25: {  	[simem:s6], [sflag:s4] =	dma.local [hbm:s3], $0xF7A  }
0x26: {  	[smem:$0x3F9F] =	sst s1;
	(tag) =	ssettag s2;
	_ =	strace s9  }
0x27: {  	s1 =	sld [smem:$0x3FAF]  }
0x28: {  	s2 =	sld [smem:$0x3FB0]  }
0x29: {  	s4 =	sld [smem:$0x3FB2]  }
0x2a: {  	p0 =	seq.s32 s5, $0x0;
	s5 =	sld [smem:$0x3FB3]  }
0x2b: {  	s6 =	sld [smem:$0x3FB4]  }
0x2c: {  	s7 =	sld [smem:$0x3FB5]  }
0x2d: {  	s3 =	simm.s32 $0x108;
	s8 =	sld [smem:$0x3FB6]  }
0x2e: {  	s3 =	simm.s32 @!p0 $0x1082;
	s9 =	sld [smem:$0x3FB7]  }
0x2f: {  	lr =	sadd.s32 s0, s3;
	s0 =	sld [smem:$0x3FAE]  }
0x30: {  	s3 =	sld [smem:$0x3FB1]  }
0x31: {  	[smem:$0x3FBA] =	sst s10  }
0x32: {  	s10 =	sld [smem:$0x3FB8];
	_ =	sdelay $0x3  }
0x33: {  	p0 =	seq.s32 s10, $0x1;
	s10 =	sld [smem:$0x3FBA];
	_ =	sdelay $0x3  }
0x34: {  	[smem:$0x3FBA] =	sst s10  }
0x35: {  	s10 =	sld [smem:$0x3FB9];
	_ =	sdelay $0x3  }
0x36: {  	p1 =	seq.s32 s10, $0x1;
	s10 =	sld [smem:$0x3FBA];
	_ =	sdelay $0x3  }
0x37: {  	[smem:$0x3FBA] =	sst s10  }
0x38: {  	s10 =	sld [smem:$0x3FBB]  }
0x39: {  	_ = 	snop;
	(pc) =	sbr.ind lr, $3  }
0x3a: {  	_ = 	snop  }
0x3b: {  	_ = 	snop  }
0x3c: {  	p2 =	seq.s32 s10, $0x1;
	s10 =	sld [smem:$0x3FBA]  }
0x3d: {  	_ =	shalt  }
0x3e: {  	_ =	shalt  }
0x3f: {  	_ =	shalt  }
0x40: {  	_ =	shalt  }
0x41: {  	_ =	shalt  }
0x42: {  	_ =	shalt  }
0x43: {  	_ =	shalt  }
0x44: {  	_ =	shalt  }
0x45: {  	_ =	shalt  }
0x46: {  	_ =	shalt  }
0x47: {  	_ =	shalt  }
0x48: {  	_ =	shalt  }
0x49: {  	_ =	shalt  }
0x4a: {  	_ =	shalt  }
0x4b: {  	_ =	shalt  }
0x4c: {  	_ =	shalt  }
0x4d: {  	_ =	shalt  }
0x4e: {  	_ =	shalt  }
0x4f: {  	_ =	shalt  }
0x50: {  	_ =	shalt  }
0x51: {  	_ =	shalt  }
0x52: {  	_ =	shalt  }
0x53: {  	_ =	shalt  }
0x54: {  	_ =	shalt  }
0x55: {  	_ =	shalt  }
0x56: {  	_ =	shalt  }
0x57: {  	_ =	shalt  }
0x58: {  	_ =	shalt  }
0x59: {  	_ =	shalt  }
0x5a: {  	_ =	shalt  }
0x5b: {  	_ =	shalt  }
0x5c: {  	_ =	shalt  }
0x5d: {  	_ =	shalt  }
0x5e: {  	_ =	shalt  }
0x5f: {  	_ =	shalt  }
0x60: {  	_ =	shalt  }
0x61: {  	_ =	shalt  }
0x62: {  	_ =	shalt  }
0x63: {  	_ =	shalt  }
0x64: {  	_ =	shalt  }
0x65: {  	_ =	shalt  }
0x66: {  	_ =	shalt  }
0x67: {  	_ =	shalt  }
0x68: {  	_ =	shalt  }
0x69: {  	_ =	shalt  }
0x6a: {  	_ =	shalt  }
0x6b: {  	_ =	shalt  }
0x6c: {  	_ =	shalt  }
0x6d: {  	_ =	shalt  }
0x6e: {  	_ =	shalt  }
0x6f: {  	_ =	shalt  }
0x70: {  	_ =	shalt  }
0x71: {  	_ =	shalt  }
0x72: {  	_ =	shalt  }
0x73: {  	_ =	shalt  }
0x74: {  	_ =	shalt  }
0x75: {  	_ =	shalt  }
0x76: {  	_ =	shalt  }
0x77: {  	_ =	shalt  }
0x78: {  	_ =	shalt  }
0x79: {  	_ =	shalt  }
0x7a: {  	_ =	shalt  }
0x7b: {  	_ =	shalt  }
0x7c: {  	_ =	shalt  }
0x7d: {  	_ =	shalt  }
0x7e: {  	_ =	shalt  }
0x7f: {  	_ =	shalt  }
0x80: {  	_ =	shalt  }
0x81: {  	_ =	shalt  }
0x82: {  	_ =	shalt  }
0x83: {  	_ =	shalt  }
0x84: {  	_ =	shalt  }
0x85: {  	_ =	shalt  }
0x86: {  	_ =	shalt  }
0x87: {  	_ =	shalt  }
.Lfunc_end0:
.L_simem_size_0:
called_computation_lowered:
.L_overlay_start_0:
0x88: {  	s2 =	sld [smem:$0x3FD9]  }
0x89: {  	s3 =	sld [smem:$0x3FFE];
	_ =	sdelay $0x1  }
0x8a: {  	s1 =	srdreg.scid  }
0x8b: {  	s0 =	sand.u32 $0x1, s1  }
0x8c: {  	s17 =	sshll.u32 s0, $0xA;
	s2 =	sadd.s32 s3, s2  }
0x8d: {  	s2 =	sadd.s32 s2, s17  }
0x8e: {  	[smem:$0x3FC6] =	sst s2  }
0x8f: {  	_ = 	snop  }
0x90: {  	s2 =	sld [smem:$0x3FD0];
	(tm) =	ssettm $0x1  }
0x91: {  	s18 =	sld [smem:$0x3FFB];
	_ =	sdelay $0x3  }
0x92: {  	_ =	strace s18  }
0x93: {  	s3 =	sld [smem:$0x3FFC];
	_ =	sdelay $0x3  }
0x94: {  	_ =	strace s3  }
0x95: {  	s3 =	sld [smem:$0x3FFD];
	_ =	sdelay $0x3  }
0x96: {  	_ =	strace s3  }
0x97: {  	_ =	strace $0x8FFFFFFF  }
0x98: {  	s19 =	sld [smem:$0x3FDB];
	_ =	sdelay $0x1  }
0x99: {  	s4 =	simm.s32 $_scs_section_size  }
0x9a: {  	s5 =	simm.s32 $_size__tile_overlayer_lowered;
	s6 =	simm.s32 $_tile_overlayer_lowered  }
0x9b: {  	s22 =	simm.s32 $0x1BFF;
	s21 =	sshll.u32 s6, $0x1;
	s3 =	sadd.s32 s4, s19  }
0x9c: {  	s7 =	simm.s32 $0x0;
	s20 =	sshll.u32 s5, $0x1;
	s5 =	sadd.s32 s21, s3  }
0x9d: {  	[timem:s7], [sflag:s22] =	dma.local [hbm:s5], s20  }
0x9e: {  	_ =	swait.ge [sflag:s22], s20  }
0x9f: {  	s4 =	ssub.s32 $0x0, s20;
	[sflag:s22] =	ssyncset.done $0x0  }
0xa0: {  	[sflag:s22] =	ssyncadd.s32 s4;
	_ =	sdelay $0x1  }
0xa1: {  	s23 =	simm.s32 $0x1B8B  }
0xa2: {  	_ =	swait.ge [sflag:s23], $0x1  }
0xa3: {  	[sflag:s23] =	ssyncset.done $0x0  }
0xa4: {  	s25 =	simm.s32 $0x1B8E;
	s24 =	sld [smem:$0x3FFE];
	[sflag:s23] =	ssyncadd.s32 $0xFFFFFFFF  }
0xa5: {  	s26 =	simm.s32 $execute0_lowered;
	[smem:$0x3FD2] =	sst s25  }
0xa6: {  	s5 =	sshll.u32 s26, $0x1;
	_ =	strace $0x80000046;
	[dreg:$0x1] =	wrdreg $0xFFFFFFFF  }
0xa7: {  	s28 =	simm.s32 $_size_execute0_lowered;
	s3 =	sadd.s32 s3, s5;
	[dreg:$0x0] =	wrdreg $0x0  }
0xa8: {  	s5 =	sshll.u32 s28, $0x1;
	[dreg:$0x2] =	wrdreg s3  }
0xa9: {  	[dreg:$0x3] =	wrdreg s5  }
0xaa: {  	[dreg:$0x4] =	wrdreg $0xC0  }
0xab: {  	_ =	task [dreg:s7], $0x5FFFF  }
0xac: {  	[dreg:$0x1] =	wrdreg $0xFFFFFFFF  }
0xad: {  	[dreg:$0x0] =	wrdreg $0x60  }
0xae: {  	[dreg:$0x2] =	wrdreg s24  }
0xaf: {  	[dreg:$0x3] =	wrdreg s2  }
0xb0: {  	[dreg:$0x4] =	wrdreg $0x72100  }
0xb1: {  	[dreg:$0x5] =	wrdreg $0x9  }
0xb2: {  	_ =	task.clear_ibuf [dreg:s7], $0x6FFFF;
	_ =	strace $0x90000046  }
0xb3: {  	s29 =	simm.s32 $0x9;
	_ =	strace $0x80000048  }
0xb4: {  	_ =	swait.ge [sflag:s29], $0x1  }
0xb5: {  	[sflag:s29] =	ssyncadd.s32 $0xFFFFFFFF  }
0xb6: {  	_ =	strace $0x90000048  }
0xb7: {  	_ =	sfence  }
0xb8: {  	s30 =	sld [smem:$0x0];
	_ =	sdelay $0x2  }
0xb9: {  	s31 =	sshll.u32 s1, $0xD;
	s1 =	sshrl.u32 s1, $0x2  }
0xba: {  	s3 =	sand.u32 $0x4000, s31;
	s1 =	sadd.s32 s1, s30  }
0xbb: {  	s0 =	sor.u32 s3, s0;
	s1 =	sshll.u32 s1, $0x11  }
0xbc: {  	s0 =	sor.u32 s1, s0  }
0xbd: {  	s0 =	sadd.s32 $0x8F2B, s0  }
0xbe: {  	[sflag:s0] =	ssyncadd.remote.s32 $0x1  }
0xbf: {  	_ =	sfence.sel $0xFFFF  }
0xc0: {  	[dreg:$0x0] =	wrdreg $0xFFFFFFFF;
	(pc) =	sbr.abs _section_cstart, $3  }
0xc1: {  	[dreg:$0x1] =	wrdreg $0xFFFFFFFF  }
0xc2: {  	_ =	task.clear_ibuf [dreg:s7], $0x2FFFF;
	_ =	strace $0x9FFFFFFF  }
0xc3: {  	(tm) =	ssettm $0x7FFFFFFF  }
tec
execute0_lowered:
.L_overlay_start_1:
0x0: {  	(tag) =	ssettag $0x1  }
0x1: {  	s0 =	rddreg [dreg:$0x0]  }
0x2: {  	s12 =	rddreg [dreg:$0x1]  }
0x3: {  	s2 =	rddreg [dreg:$0x2];
	s3 =	simm.s32 $0x0;
	s1 =	srdreg.scid  }
0x4: {  	s11 =	stileid.u32;
	s28 =	simm.s32 $0xB;
	s29 =	simm.s32 $0xC  }
0x5: {  	s30 =	simm.s32 $0xD;
	s31 =	simm.s32 $0xE;
	[smem:$0x7FF] =	sst s3  }
0x6: {  	s5 =	sadd.s32 $0xA400, s0;
	s13 =	sadd.s32 $0x600, s0;
	s7 =	smul.u32 $0x5A000, s11  }
0x7: {  	s4 =	sadd.s32 $0x37400, s0;
	s1 =	sand.u32 $0x1, s1;
	s9 =	smul.u32 $0x16800, s11  }
0x8: {  	s6 =	sshll.u32 s11, $0x1;
	s25 =	smul.u32 $0x4E20, s11;
	s11 =	simm.s32 $0x78  }
0x9: {  	_ =	strace $0x80000047;
	[dreg:$0x5] =	wrdreg s4;
	s15 =	ssub.s32 $0x2, s1  }
0xa: {  	s6 =	sor.u32 s1, s6;
	p0 =	seq.s32 s1, $0x0;
	s26 =	smul.u32 $0x2710, s1  }
0xb: {  	[dreg:$0x4] =	wrdreg s13;
	s8 =	sshrl.u32 s15, $0x1;
	s7 =	sshrl.u32 s7, $0x2  }
0xc: {  	s6 =	smul.u32 $0x2710, s6;
	s16 =	sadd.s32 s9, s2;
	s4 =	ssub.s32 s15, s8  }
0xd: {  	s14 =	sadd.s32 s7, s2;
	[smem:$0x7FC] =	sst s16;
	s7 =	sshrl.u32 s9, $0x3  }
0xe: {  	s16 =	sadd.s32 s26, s25;
	s10 =	sadd.s32 s5, s7;
	[dreg:$0x6] =	wrdreg s14  }
0xf: {  	s17 =	sshrl.u32 s6, $0x3;
	s4 =	smax.u32 s4, $0x1;
	[dreg:$0x7] =	wrdreg s10  }
0x10: {  	s18 =	sadd.s32 $0x28, s6;
	s26 =	sadd.s32 $0xC8, s16;
	[dreg:$0x13] =	wrdreg s4  }
0x11: {  	s6 =	sadd.s32 $0x78, s6;
	s19 =	sadd.s32 s13, s17;
	[dreg:$0x1c] =	wrdreg s26  }
0x12: {  	s9 =	sshrl.u32 s18, $0x3;
	s20 =	sadd.s32 s12, s17;
	[dreg:$0x8] =	wrdreg s19  }
0x13: {  	s22 =	sadd.s32 $0xA, s17;
	[dreg:$0x9] =	wrdreg s20;
	s21 =	sadd.s32 s13, s9  }
0x14: {  	s6 =	sshrl.u32 s6, $0x3;
	s9 =	sadd.s32 s12, s9;
	[dreg:$0xa] =	wrdreg s21  }
0x15: {  	s8 =	sadd.s32 $0x14, s17;
	s23 =	sadd.s32 s13, s22;
	[dreg:$0xb] =	wrdreg s9  }
0x16: {  	s18 =	sadd.s32 $0x168, s16;
	s24 =	sadd.s32 s12, s22;
	[dreg:$0xc] =	wrdreg s23  }
0x17: {  	s10 =	simm.s32 $0x118;
	s15 =	sadd.s32 s13, s6;
	[dreg:$0xd] =	wrdreg s24  }
0x18: {  	s4 =	simm.s32 $0x4;
	s6 =	sadd.s32 s12, s6;
	[dreg:$0xe] =	wrdreg s15  }
0x19: {  	s26 =	simm.s32 $0xA;
	s17 =	sadd.s32 s13, s8;
	[dreg:$0xf] =	wrdreg s6  }
0x1a: {  	s8 =	sadd.s32 s12, s8;
	s19 =	sadd.s32 $0x118, s16;
	[dreg:$0x10] =	wrdreg s17  }
0x1b: {  	s22 =	sadd.s32 $0x140, s16;
	s9 =	simm.s32 $0x64E00;
	[dreg:$0x11] =	wrdreg s8  }
0x1c: {  	s23 =	sadd.s32 $0xF0, s16;
	s15 =	simm.s32 $0x28;
	s8 =	simm.s32 $0x50  }
0x1d: {  	s9 =	simm.s32 @!p0 $0x37E00;
	p0 =	sne.s32 s1, $0x0;
	s1 =	sshrl.u32 s19, $0x3  }
0x1e: {  	s6 =	simm.s32 $0x0;
	s25 =	sshrl.u32 s23, $0x3;
	s21 =	sadd.s32 s1, s12  }
0x1f: {  	s0 =	sadd.s32 s9, s0;
	s1 =	sadd.s32 s1, s13;
	[dreg:$0x16] =	wrdreg s21  }
0x20: {  	s23 =	simm.s32 $0x7;
	s0 =	sadd.s32 s0, s7;
	[dreg:$0x17] =	wrdreg s1  }
0x21: {  	s9 =	simm.s32 $0xA0;
	[dreg:$0x12] =	wrdreg s0;
	s0 =	sshrl.u32 s18, $0x3  }
0x22: {  	s1 =	sadd.s32 s25, s12;
	s20 =	sadd.s32 s0, s12;
	s0 =	sadd.s32 s0, s13  }
0x23: {  	s21 =	simm.s32 $0xF0;
	[dreg:$0x15] =	wrdreg s0;
	s0 =	sshrl.u32 s22, $0x3  }
0x24: {  	[dreg:$0x1a] =	wrdreg s1;
	s24 =	sadd.s32 s0, s12;
	s0 =	sadd.s32 s0, s13  }
0x25: {  	s7 =	simm.s32 $0x5;
	[dreg:$0x19] =	wrdreg s0;
	s0 =	sadd.s32 s25, s13  }
0x26: {  	s1 =	sadd.s32 $0x12000, s14;
	[dreg:$0x1b] =	wrdreg s0;
	s0 =	sadd.s32 $0x4800, s14  }
0x27: {  	[dreg:$0x14] =	wrdreg s20;
	s22 =	simm.s32 $0x1;
	s0 =	sshrl.u32 @p0 s0, $0x3  }
0x28: {  	s12 =	simm.s32 $0x3;
	[dreg:$0x1d] =	wrdreg s0;
	s0 =	sadd.s32 $0x9000, s14  }
.Ltmp0:
0x29: {  	[dreg:$0x18] =	wrdreg s24;
	s0 =	sshrl.u32 @p0 s0, $0x3;
	(pc) =	sbr.rel .LBB2_1-.Ltmp0, $4  }
0x2a: {  	s13 =	simm.s32 $0x140;
	[dreg:$0x1e] =	wrdreg s0;
	s0 =	sadd.s32 $0xD800, s14  }
0x2b: {  	s24 =	simm.s32 $0x8;
	s25 =	simm.s32 $0x9;
	s0 =	sshrl.u32 @p0 s0, $0x3  }
0x2c: {  	s14 =	simm.s32 $0xF;
	[dreg:$0x1f] =	wrdreg s0;
	s0 =	sshrl.u32 @p0 s1, $0x3  }
0x2d: {  	s1 =	simm.s32 $0x168;
	[smem:$0x7FD] =	sst s0;
	s0 =	simm.s32 $0x2  }
.LBB2_4:
0x2e: {  	_ =	swait.ge [sflag:s29], $0x1680  }
0x2f: {  	[sflag:s29] =	ssyncset.done $0x0  }
0x30: {  	[sflag:s29] =	ssyncadd.s32 $0xFFFFE980  }
0x31: {  	_ =	swait.ge [sflag:s30], $0x1680  }
0x32: {  	[sflag:s30] =	ssyncset.done $0x0  }
0x33: {  	[sflag:s30] =	ssyncadd.s32 $0xFFFFE980  }
0x34: {  	_ =	swait.ge [sflag:s31], $0x1680  }
0x35: {  	[sflag:s31] =	ssyncset.done $0x0  }
0x36: {  	[sflag:s31] =	ssyncadd.s32 $0xFFFFE980  }
0x37: {  	_ =	swait.ge [sflag:s14], $0x1680  }
0x38: {  	[sflag:s14] =	ssyncset.done $0x0  }
0x39: {  	[sflag:s14] =	ssyncadd.s32 $0xFFFFE980  }
0x3a: {  	[bflag:$0x0] =	sbarrier.arrive $0xFFFF  }
0x3b: {  	s1 =	sld [smem:$0x7FC]  }
0x3c: {  	s16 =	stileid.u32  }
0x3d: {  	s20 =	simm.s32 $0x10;
	s16 =	sshll.u32 s16, $0x6  }
0x3e: {  	s16 =	sor.u32 $0x1C10, s16;
	s19 =	rddreg [dreg:$0x12];
	s17 =	sshrl.u32 s1, $0x3  }
0x3f: {  	[hbm:s19], [sflag:s16] =	dma.local [spmem:s17], $0x2D00  }
0x40: {  	_ =	swait.ge [sflag:s20], $0x2D00  }
0x41: {  	s6 =	sld [smem:$0x7FB];
	_ =	sdelay $0x2  }
0x42: {  	s21 =	rddreg [dreg:$0x13];
	s6 =	sadd.s32 $0x1, s6  }
0x43: {  	p1 =	sne.s32 s6, s21  }
.Ltmp1:
0x44: {  	_ = 	snop;
	(pc) =	sbr.rel @!p1 .LBB2_5-.Ltmp1, $4  }
0x45: {  	s8 =	simm.s32 $0x50  }
0x46: {  	s10 =	simm.s32 $0x118;
	s11 =	simm.s32 $0x78;
	s13 =	simm.s32 $0x140  }
0x47: {  	s9 =	simm.s32 $0xA0;
	s1 =	simm.s32 $0x168;
	[sflag:s20] =	ssyncset.done $0x0  }
0x48: {  	s16 =	stileid.u32;
	[sflag:s20] =	ssyncadd.s32 $0xFFFFD300;
	s21 =	simm.s32 $0xF0  }
.LBB2_1:
0x49: {  	[smem:$0x7FB] =	sst s6;
	s6 =	stileid.u32  }
0x4a: {  	s17 =	rddreg [dreg:$0x6];
	s16 =	sshll.u32 @p0 s6, $0x6  }
0x4b: {  	s19 =	rddreg [dreg:$0x5];
	s17 =	sshrl.u32 @p0 s17, $0x3;
	s16 =	sor.u32 @p0 $0x1C10, s16  }
0x4c: {  	[spmem:s17], [sflag:s16] =	dma.local @p0 [hbm:s19], $0x900  }
0x4d: {  	s17 =	simm.s32 @p0 $0x10  }
0x4e: {  	_ =	swait.ge @p0 [sflag:s17], $0x900  }
0x4f: {  	[sflag:s17] =	ssyncset.done @p0 $0x0  }
0x50: {  	s18 =	rddreg [dreg:$0x1d];
	[sflag:s17] =	ssyncadd.s32 @p0 $0xFFFFF700  }
0x51: {  	[spmem:s18], [sflag:s16] =	dma.local @p0 [hbm:s19], $0x900  }
0x52: {  	_ =	swait.ge @p0 [sflag:s17], $0x900  }
0x53: {  	[sflag:s17] =	ssyncset.done @p0 $0x0  }
0x54: {  	s18 =	rddreg [dreg:$0x1e];
	[sflag:s17] =	ssyncadd.s32 @p0 $0xFFFFF700  }
0x55: {  	[spmem:s18], [sflag:s16] =	dma.local @p0 [hbm:s19], $0x900  }
0x56: {  	_ =	swait.ge @p0 [sflag:s17], $0x900  }
0x57: {  	[sflag:s17] =	ssyncset.done @p0 $0x0  }
0x58: {  	s18 =	rddreg [dreg:$0x1f];
	[sflag:s17] =	ssyncadd.s32 @p0 $0xFFFFF700  }
0x59: {  	[spmem:s18], [sflag:s16] =	dma.local @p0 [hbm:s19], $0x900  }
0x5a: {  	_ =	swait.ge @p0 [sflag:s17], $0x900  }
0x5b: {  	s18 =	sld [smem:$0x7FD]  }
0x5c: {  	[sflag:s17] =	ssyncset.done @p0 $0x0  }
0x5d: {  	[sflag:s17] =	ssyncadd.s32 @p0 $0xFFFFF700  }
0x5e: {  	[spmem:s18], [sflag:s16] =	dma.local @p0 [hbm:s19], $0x900  }
0x5f: {  	_ =	swait.ge @p0 [sflag:s17], $0x900  }
0x60: {  	s18 =	sld [smem:$0x7FC]  }
0x61: {  	s16 =	sshll.u32 @!p0 s6, $0x6  }
0x62: {  	s16 =	sor.u32 @!p0 $0x1C10, s16;
	[sflag:s17] =	ssyncset.done @p0 $0x0  }
0x63: {  	s19 =	rddreg [dreg:$0x7];
	[sflag:s17] =	ssyncadd.s32 @p0 $0xFFFFF700;
	s17 =	sshrl.u32 @!p0 s18, $0x3  }
0x64: {  	[spmem:s17], [sflag:s16] =	dma.local @!p0 [hbm:s19], $0x2D00  }
0x65: {  	s16 =	simm.s32 @!p0 $0x10  }
0x66: {  	_ =	swait.ge @!p0 [sflag:s16], $0x2D00  }
0x67: {  	[sflag:s16] =	ssyncset.done @!p0 $0x0  }
0x68: {  	[sflag:s16] =	ssyncadd.s32 @!p0 $0xFFFFD300  }
0x69: {  	[bflag:$0x0] =	sbarrier.arrive $0xFFFF  }
0x6a: {  	s19 =	rddreg [dreg:$0x8]  }
0x6b: {  	s20 =	rddreg [dreg:$0x9]  }
0x6c: {  	[tilespmem:s3], [sflag:$0x1] =	stream.linear.gather [hbm4b:s19+s3], $0x28, $0x38;
	[tilespmem:$0x1DA10] =	vst v63  }
0x6d: {  	s6 =	rddreg [dreg:$0xa];
	s19 =	simm.s32 $0xC8  }
0x6e: {  	[tilespmem:s19], [sflag:$0x1] =	stream.linear.gather [hbm4b:s20+s3], $0x28, $0x38;
	[tilespmem:$0x1DA10] =	vst v63  }
0x6f: {  	s17 =	rddreg [dreg:$0xb]  }
0x70: {  	[tilespmem:s15], [sflag:$0x2] =	stream.linear.gather [hbm4b:s6+s3], $0x28, $0x38;
	[tilespmem:$0x1DA10] =	vst v63  }
0x71: {  	s18 =	rddreg [dreg:$0xc]  }
0x72: {  	[tilespmem:s21], [sflag:$0x2] =	stream.linear.gather [hbm4b:s17+s3], $0x28, $0x38;
	[tilespmem:$0x1DA10] =	vst v63  }
0x73: {  	s16 =	rddreg [dreg:$0x1c]  }
0x74: {  	[tilespmem:s8], [sflag:$0x3] =	stream.linear.gather [hbm4b:s18+s3], $0x28, $0x38;
	[tilespmem:$0x1DA10] =	vst v63  }
0x75: {  	s20 =	rddreg [dreg:$0xd]  }
0x76: {  	[tilespmem:s10], [sflag:$0x3] =	stream.linear.gather [hbm4b:s20+s3], $0x28, $0x38;
	[tilespmem:$0x1DA10] =	vst v63  }
0x77: {  	s6 =	rddreg [dreg:$0xe]  }
0x78: {  	[tilespmem:s11], [sflag:$0x4] =	stream.linear.gather [hbm4b:s6+s3], $0x28, $0x38;
	[tilespmem:$0x1DA10] =	vst v63  }
0x79: {  	s17 =	rddreg [dreg:$0xf]  }
0x7a: {  	[tilespmem:s13], [sflag:$0x4] =	stream.linear.gather [hbm4b:s17+s3], $0x28, $0x38;
	[tilespmem:$0x1DA10] =	vst v63  }
0x7b: {  	s18 =	rddreg [dreg:$0x10]  }
0x7c: {  	[tilespmem:s9], [sflag:$0x5] =	stream.linear.gather [hbm4b:s18+s3], $0x28, $0x38;
	[tilespmem:$0x1DA10] =	vst v63  }
0x7d: {  	s20 =	rddreg [dreg:$0x11];
	s17 =	simm.s32 $0x0  }
0x7e: {  	[tilespmem:s1], [sflag:$0x5] =	stream.linear.gather [hbm4b:s20+s3], $0x28, $0x38;
	[tilespmem:$0x1DA10] =	vst v63  }
.LBB2_2:
0x7f: {  	_ =	swait.ge [sflag:s22], $0x28  }
0x80: {  	[sflag:s22] =	ssyncset.done $0x0  }
0x81: {  	[sflag:s22] =	ssyncadd.s32 $0xFFFFFFD8  }
0x82: {  	_ =	swait.ge [sflag:s22], $0x28  }
0x83: {  	[sflag:s22] =	ssyncset.done $0x0  }
0x84: {  	s20 =	simm.s32 $0x190;
	[sflag:s22] =	ssyncadd.s32 $0xFFFFFFD8  }
0x85: {  	[tilespmem:s20], [sflag:$0x6] =	stream.indirect.gather [hbm4b:s5+s15], $0x90, s3, s15, $0xb8;
	[tilespmem:$0x1DA10] =	vst v63  }
0x86: {  	_ =	swait.ge [sflag:s0], $0x28  }
0x87: {  	[sflag:s0] =	ssyncset.done $0x0  }
0x88: {  	[sflag:s0] =	ssyncadd.s32 $0xFFFFFFD8  }
0x89: {  	_ =	swait.ge [sflag:s0], $0x28  }
0x8a: {  	[sflag:s0] =	ssyncset.done $0x0  }
0x8b: {  	s18 =	simm.s32 $0x1810;
	[sflag:s0] =	ssyncadd.s32 $0xFFFFFFD8  }
0x8c: {  	[tilespmem:s18], [sflag:$0x7] =	stream.indirect.gather [hbm4b:s5+s15], $0x90, s15, s15, $0xb8;
	[tilespmem:$0x1DA10] =	vst v63  }
0x8d: {  	_ =	swait.ge [sflag:s12], $0x28  }
0x8e: {  	[sflag:s12] =	ssyncset.done $0x0  }
0x8f: {  	[sflag:s12] =	ssyncadd.s32 $0xFFFFFFD8  }
0x90: {  	_ =	swait.ge [sflag:s12], $0x28  }
0x91: {  	[sflag:s12] =	ssyncset.done $0x0  }
0x92: {  	s6 =	simm.s32 $0x2E90;
	[sflag:s12] =	ssyncadd.s32 $0xFFFFFFD8  }
0x93: {  	[tilespmem:s6], [sflag:$0x8] =	stream.indirect.gather [hbm4b:s5+s15], $0x90, s8, s15, $0xb8;
	[tilespmem:$0x1DA10] =	vst v63  }
0x94: {  	_ =	swait.ge [sflag:s4], $0x28  }
0x95: {  	[sflag:s4] =	ssyncset.done $0x0  }
0x96: {  	[sflag:s4] =	ssyncadd.s32 $0xFFFFFFD8  }
0x97: {  	_ =	swait.ge [sflag:s4], $0x28  }
0x98: {  	[sflag:s4] =	ssyncset.done $0x0  }
0x99: {  	s8 =	simm.s32 $0x4510;
	[sflag:s4] =	ssyncadd.s32 $0xFFFFFFD8  }
0x9a: {  	[tilespmem:s8], [sflag:$0x9] =	stream.indirect.gather [hbm4b:s5+s15], $0x90, s11, s15, $0xb8;
	[tilespmem:$0x1DA10] =	vst v63  }
0x9b: {  	_ =	swait.ge [sflag:s7], $0x28  }
0x9c: {  	[sflag:s7] =	ssyncset.done $0x0  }
0x9d: {  	[sflag:s7] =	ssyncadd.s32 $0xFFFFFFD8  }
0x9e: {  	_ =	swait.ge [sflag:s7], $0x28  }
0x9f: {  	[sflag:s7] =	ssyncset.done $0x0  }
0xa0: {  	s11 =	simm.s32 $0x5B90;
	[sflag:s7] =	ssyncadd.s32 $0xFFFFFFD8  }
0xa1: {  	[tilespmem:s11], [sflag:$0xA] =	stream.indirect.gather [hbm4b:s5+s15], $0x90, s9, s15, $0xb8;
	[tilespmem:$0x1DA10] =	vst v63  }
0xa2: {  	s9 =	simm.s32 $0x6  }
0xa3: {  	_ =	swait.ge [sflag:s9], $0x1680  }
0xa4: {  	[sflag:s9] =	ssyncset.done $0x0  }
0xa5: {  	[sflag:s9] =	ssyncadd.s32 $0xFFFFE980  }
0xa6: {  	[spmem:s2] =	stream.indirect.scatter.add.f32 [tilespmem:s20], [sflag:$0xB], $0x90, s19, s15, $0xb8;
	[tilespmem:$0x1DA10] =	vst v63  }
0xa7: {  	_ =	swait.ge [sflag:s23], $0x1680  }
0xa8: {  	[sflag:s23] =	ssyncset.done $0x0  }
0xa9: {  	[sflag:s23] =	ssyncadd.s32 $0xFFFFE980  }
0xaa: {  	[spmem:s2] =	stream.indirect.scatter.add.f32 [tilespmem:s18], [sflag:$0xC], $0x90, s21, s15, $0xb8;
	[tilespmem:$0x1DA10] =	vst v63  }
0xab: {  	_ =	swait.ge [sflag:s24], $0x1680  }
0xac: {  	[sflag:s24] =	ssyncset.done $0x0  }
0xad: {  	[sflag:s24] =	ssyncadd.s32 $0xFFFFE980  }
0xae: {  	[spmem:s2] =	stream.indirect.scatter.add.f32 [tilespmem:s6], [sflag:$0xD], $0x90, s10, s15, $0xb8;
	[tilespmem:$0x1DA10] =	vst v63  }
0xaf: {  	_ =	swait.ge [sflag:s25], $0x1680  }
0xb0: {  	[sflag:s25] =	ssyncset.done $0x0  }
0xb1: {  	[sflag:s25] =	ssyncadd.s32 $0xFFFFE980  }
0xb2: {  	[spmem:s2] =	stream.indirect.scatter.add.f32 [tilespmem:s8], [sflag:$0xE], $0x90, s13, s15, $0xb8;
	[tilespmem:$0x1DA10] =	vst v63  }
0xb3: {  	_ =	swait.ge [sflag:s26], $0x1680  }
0xb4: {  	p1 =	seq.s32 s17, $0x4C9;
	s9 =	simm.s32 $0x140;
	[sflag:s26] =	ssyncset.done $0x0  }
.Ltmp2:
0xb5: {  	s20 =	simm.s32 $0x168;
	[sflag:s26] =	ssyncadd.s32 $0xFFFFE980;
	(pc) =	sbr.rel @p1 .LBB2_4-.Ltmp2, $4  }
0xb6: {  	[spmem:s2] =	stream.indirect.scatter.add.f32 [tilespmem:s11], [sflag:$0xF], $0x90, s1, s15, $0xb8;
	[tilespmem:$0x1DA10] =	vst v63  }
0xb7: {  	s21 =	simm.s32 $0xC8;
	s10 =	simm.s32 $0x50;
	_ =	swait.ge [sflag:s28], $0x1680  }
0xb8: {  	s13 =	simm.s32 $0x78;
	s8 =	simm.s32 $0xF0;
	[sflag:s28] =	ssyncset.done $0x0  }
0xb9: {  	s1 =	simm.s32 $0xA0;
	s11 =	simm.s32 $0x118;
	[sflag:s28] =	ssyncadd.s32 $0xFFFFE980  }
0xba: {  	s18 =	sshrl.u32 s16, $0x3;
	s19 =	rddreg [dreg:$0x4]  }
0xbb: {  	s6 =	rddreg [dreg:$0x1];
	s19 =	sadd.s32 s19, s18  }
0xbc: {  	[tilespmem:s3], [sflag:$0x1] =	stream.linear.gather [hbm4b:s19+s3], $0x28, $0x38;
	[tilespmem:$0x1DA10] =	vst v63  }
0xbd: {  	s18 =	sadd.s32 s6, s18  }
0xbe: {  	[tilespmem:s21], [sflag:$0x1] =	stream.linear.gather [hbm4b:s18+s3], $0x28, $0x38;
	[tilespmem:$0x1DA10] =	vst v63  }
0xbf: {  	_ =	swait.ge [sflag:s29], $0x1680  }
0xc0: {  	[sflag:s29] =	ssyncset.done $0x0;
	s21 =	rddreg [dreg:$0x1b]  }
0xc1: {  	s6 =	rddreg [dreg:$0x1a];
	[sflag:s29] =	ssyncadd.s32 $0xFFFFE980;
	s18 =	sadd.s32 s17, s21  }
0xc2: {  	[tilespmem:s15], [sflag:$0x2] =	stream.linear.gather [hbm4b:s18+s3], $0x28, $0x38;
	[tilespmem:$0x1DA10] =	vst v63  }
0xc3: {  	s18 =	sadd.s32 s17, s6  }
0xc4: {  	[tilespmem:s8], [sflag:$0x2] =	stream.linear.gather [hbm4b:s18+s3], $0x28, $0x38;
	[tilespmem:$0x1DA10] =	vst v63  }
0xc5: {  	_ =	swait.ge [sflag:s30], $0x1680  }
0xc6: {  	[sflag:s30] =	ssyncset.done $0x0;
	s8 =	rddreg [dreg:$0x17]  }
0xc7: {  	[sflag:s30] =	ssyncadd.s32 $0xFFFFE980;
	s18 =	sadd.s32 s17, s8  }
0xc8: {  	[tilespmem:s10], [sflag:$0x3] =	stream.linear.gather [hbm4b:s18+s3], $0x28, $0x38;
	[tilespmem:$0x1DA10] =	vst v63  }
0xc9: {  	s10 =	rddreg [dreg:$0x16]  }
0xca: {  	s18 =	sadd.s32 s17, s10  }
0xcb: {  	[tilespmem:s11], [sflag:$0x3] =	stream.linear.gather [hbm4b:s18+s3], $0x28, $0x38;
	[tilespmem:$0x1DA10] =	vst v63  }
0xcc: {  	_ =	swait.ge [sflag:s31], $0x1680  }
0xcd: {  	[sflag:s31] =	ssyncset.done $0x0;
	s11 =	rddreg [dreg:$0x19]  }
0xce: {  	[sflag:s31] =	ssyncadd.s32 $0xFFFFE980;
	s18 =	sadd.s32 s17, s11  }
0xcf: {  	[tilespmem:s13], [sflag:$0x4] =	stream.linear.gather [hbm4b:s18+s3], $0x28, $0x38;
	[tilespmem:$0x1DA10] =	vst v63  }
0xd0: {  	s13 =	rddreg [dreg:$0x18]  }
0xd1: {  	s18 =	sadd.s32 s17, s13  }
0xd2: {  	[tilespmem:s9], [sflag:$0x4] =	stream.linear.gather [hbm4b:s18+s3], $0x28, $0x38;
	[tilespmem:$0x1DA10] =	vst v63  }
0xd3: {  	s16 =	sadd.s32 $0xC8, s16;
	s8 =	simm.s32 $0x50;
	_ =	swait.ge [sflag:s14], $0x1680  }
0xd4: {  	s10 =	simm.s32 $0x118;
	s11 =	simm.s32 $0x78;
	s19 =	rddreg [dreg:$0x15]  }
0xd5: {  	s13 =	simm.s32 $0x140;
	[sflag:s14] =	ssyncset.done $0x0;
	s21 =	rddreg [dreg:$0x14]  }
.Ltmp3:
0xd6: {  	[sflag:s14] =	ssyncadd.s32 $0xFFFFE980;
	s18 =	sadd.s32 s17, s19;
	(pc) =	sbr.rel .LBB2_2-.Ltmp3, $4  }
0xd7: {  	[tilespmem:s1], [sflag:$0x5] =	stream.linear.gather [hbm4b:s18+s3], $0x28, $0x38;
	[tilespmem:$0x1DA10] =	vst v63  }
0xd8: {  	s9 =	simm.s32 $0xA0;
	s19 =	simm.s32 $0xC8;
	s18 =	sadd.s32 s17, s21  }
0xd9: {  	s17 =	sadd.s32 $0x19, s17;
	s21 =	simm.s32 $0xF0;
	s1 =	simm.s32 $0x168  }
0xda: {  	[tilespmem:s20], [sflag:$0x5] =	stream.linear.gather [hbm4b:s18+s3], $0x28, $0x38;
	[tilespmem:$0x1DA10] =	vst v63  }
.LBB2_5:
0xdb: {  	_ =	sfence.sel $0x180000  }
0xdc: {  	[bflag:$0x0] =	sbarrier.arrive $0xFFFF  }
0xdd: {  	_ =	strace $0x90000047  }
0xde: {  	[bflag:$0x2] =	sbarrier.arrive $0xFFFF  }
0xdf: {  	p0 =	sne.s32 s16, $0x0;
	s0 =	rddreg [dreg:$0x3]  }
0xe0: {  	s0 =	sadd.s32 @!p0 $0x100000, s0  }
0xe1: {  	[sflag:s0] =	ssyncadd.tile.s32 @!p0 $0x1;
	_ =	shalt  }
.Lfunc_end2:
_tile_overlayer_lowered:
.L_overlay_start_2:
0xe2: {  	(tag) =	ssettag $0x2  }
0xe3: {  	s0 =	rddreg [dreg:$0x0];
	s2 =	stileid.u32  }
0xe4: {  	s1 =	rddreg [dreg:$0x1];
	p0 =	sne.s32 s2, $0x0  }
0xe5: {  	s3 =	rddreg [dreg:$0x2];
	[bflag:$0x3] =	sbarrier.arrive $0xFFFF;
	s2 =	simm.s32 @!p0 $0x1C10  }
0xe6: {  	[timem:s3], [sflag:s2] =	dma.local @!p0 [hbm:s0], s1  }
0xe7: {  	s0 =	simm.s32 @!p0 $0x10  }
0xe8: {  	_ =	swait.ge @!p0 [sflag:s0], s1  }
0xe9: {  	s1 =	ssub.s32 @!p0 $0x0, s1;
	[sflag:s0] =	ssyncset.done @!p0 $0x0  }
0xea: {  	[sflag:s0] =	ssyncadd.s32 @!p0 s1  }
0xeb: {  	[bflag:$0x3] =	sbarrier.arrive $0xFFFF  }
0xec: {  	_ =	shalt  }

</sc_bundles>
